<compile_context>
chip_gen: v7x
topology: tpu7x:2x2x1
jax: 0.10.2.dev20260603
libtpu: 0.0.44.dev20260713+nightly
codegen_flags: <defaults>
</compile_context>

<pallas_src>
import functools

import jax
import jax.numpy as jnp
from jax import lax
from jax.experimental import pallas as pl
from jax.experimental.pallas import tpu as pltpu
from jax.experimental.pallas import tpu_sc as plsc

_T = 500
_TPAD = 512
_B = 16384
_D = 128
_NW = 32
_RPW = _B // _NW
_CH = 128
_L = 16


def _tables():
    import numpy as np
    betas = np.linspace(np.float32(0.0001), np.float32(0.02), _T,
                        dtype=np.float32).astype(np.float64)
    alpha_bars = np.cumprod(1.0 - betas)
    a = np.sqrt(alpha_bars).astype(np.float32)
    b = np.sqrt(1.0 - alpha_bars).astype(np.float32)
    pad = np.zeros((_TPAD - _T,), np.float32)
    return np.concatenate([a, pad, b, pad])


_TAB_CONST = _tables()


_mesh = plsc.VectorSubcoreMesh(core_axis_name="c", subcore_axis_name="s",
                               num_cores=2, num_subcores=16)


@functools.partial(
    pl.kernel,
    out_type=jax.ShapeDtypeStruct((_B, _D), jnp.float32),
    mesh=_mesh,
    compiler_params=pltpu.CompilerParams(needs_layout_passes=False),
    scratch_types=[
        pltpu.VMEM((2 * _TPAD,), jnp.float32),
        pltpu.VMEM((_RPW,), jnp.int32),
        pltpu.VMEM((_RPW,), jnp.float32),
        pltpu.VMEM((_RPW,), jnp.float32),
        pltpu.VMEM((2, _CH, _D), jnp.float32),
        pltpu.VMEM((2, _CH, _D), jnp.float32),
        pltpu.VMEM((2, _CH, _D), jnp.float32),
        pltpu.SemaphoreType.DMA,
        pltpu.SemaphoreType.DMA,
        pltpu.SemaphoreType.DMA,
        pltpu.SemaphoreType.DMA,
    ],
)
def _sc_kernel(tab_hbm, t_hbm, x0_hbm, nz_hbm, out_hbm,
               tab_v, t_v, a_v, b_v, x0_v, nz_v, out_v,
               in_sem0, in_sem1, out_sem0, out_sem1):
    wid = lax.axis_index("s") * 2 + lax.axis_index("c")
    base = wid * _RPW
    in_sems = (in_sem0, in_sem1)
    out_sems = (out_sem0, out_sem1)
    nch = _RPW // _CH

    _NSPLIT = 4
    part = _CH // _NSPLIT

    def start_in(ch):
        slot = ch % 2
        rbase = base + ch * _CH
        for h in range(_NSPLIT):
            pltpu.async_copy(x0_hbm.at[pl.ds(rbase + h * part, part)],
                             x0_v.at[slot, pl.ds(h * part, part)],
                             in_sems[slot])
            pltpu.async_copy(nz_hbm.at[pl.ds(rbase + h * part, part)],
                             nz_v.at[slot, pl.ds(h * part, part)],
                             in_sems[slot])

    start_in(0)
    pltpu.sync_copy(tab_hbm, tab_v)
    pltpu.sync_copy(t_hbm.at[pl.ds(base, _RPW)], t_v)

    @plsc.parallel_loop(0, _RPW, step=_L, unroll=4)
    def _gath(g):
        idx = t_v[pl.ds(g, _L)]
        a_v[pl.ds(g, _L)] = plsc.load_gather(tab_v, [idx])
        b_v[pl.ds(g, _L)] = plsc.load_gather(tab_v, [idx + _TPAD])

    start_in(1)

    def drain_in(slot):
        pltpu.make_async_copy(x0_hbm.at[pl.ds(base, _CH)], x0_v.at[slot],
                              in_sems[slot]).wait()
        pltpu.make_async_copy(nz_hbm.at[pl.ds(base, _CH)], nz_v.at[slot],
                              in_sems[slot]).wait()

    def drain_out(slot):
        pltpu.make_async_copy(out_v.at[slot], out_hbm.at[pl.ds(base, _CH)],
                              out_sems[slot]).wait()

    nouter = nch // 2

    def outer(o, _):
        for s in (0, 1):
            ch = o * 2 + s
            drain_in(s)

            @pl.when(o > 0)
            def _():
                drain_out(s)

            @plsc.parallel_loop(0, _CH, unroll=2)
            def _row(r):
                gr = ch * _CH + r
                gidx = jnp.broadcast_to(gr, (_L,)).astype(jnp.int32)
                av = plsc.load_gather(a_v, [gidx])
                bv = plsc.load_gather(b_v, [gidx])
                for j in range(_D // _L):
                    sl = pl.ds(j * _L, _L)
                    out_v[s, r, sl] = av * x0_v[s, r, sl] + bv * nz_v[s, r, sl]

            pltpu.async_copy(out_v.at[s],
                             out_hbm.at[pl.ds(base + ch * _CH, _CH)],
                             out_sems[s])

            @pl.when(o < nouter - 1)
            def _():
                rbase = base + (ch + 2) * _CH
                for h in range(_NSPLIT):
                    pltpu.async_copy(
                        x0_hbm.at[pl.ds(rbase + h * part, part)],
                        x0_v.at[s, pl.ds(h * part, part)], in_sems[s])
                    pltpu.async_copy(
                        nz_hbm.at[pl.ds(rbase + h * part, part)],
                        nz_v.at[s, pl.ds(h * part, part)], in_sems[s])
        return 0

    lax.fori_loop(0, nouter, outer, 0)
    drain_out(0)
    drain_out(1)


def _copy_body(src_ref, dst_ref):
    dst_ref[...] = src_ref[...]


_tc_copy = pl.pallas_call(
    _copy_body,
    grid=(8,),
    in_specs=[pl.BlockSpec((_B // 8, _D), lambda i: (i, 0))],
    out_specs=pl.BlockSpec((_B // 8, _D), lambda i: (i, 0)),
    out_shape=jax.ShapeDtypeStruct((_B, _D), jnp.float32),
)


def kernel(x0, t, noise):
    xt = _sc_kernel(jnp.asarray(_TAB_CONST), t.astype(jnp.int32), x0, noise)
    return (xt, _tc_copy(noise))

# --- scband reference (transcript-rebuilt; emitter-appended) ---
"""Pipeline reference for scband-diffusion-process-197568495687 (READ-ONLY COPY).

The authoritative reference and input builder live on the scoring server;
editing this copy changes nothing except your own understanding.
"""

import jax, jax.numpy as jnp
import numpy as np

T = 500
BETA_START = 0.0001
BETA_END = 0.02
B = 16384
D = 128


def _schedule():
    betas = jnp.linspace(BETA_START, BETA_END, T, dtype=jnp.float32)
    alphas = 1.0 - betas
    alpha_bars = jnp.cumprod(alphas, axis=0)
    sqrt_alpha_bars = jnp.sqrt(alpha_bars)
    sqrt_one_minus_alpha_bars = jnp.sqrt(1.0 - alpha_bars)
    return sqrt_alpha_bars, sqrt_one_minus_alpha_bars


def setup_inputs(seed: int = 0) -> dict:
    key = jax.random.key(seed)
    k1, k2, k3 = jax.random.split(key, 3)
    x0 = jax.random.normal(k1, (B, D), dtype=jnp.float32)
    noise = jax.random.normal(k2, (B, D), dtype=jnp.float32)
    t = jax.random.randint(k3, (B,), 0, T, dtype=jnp.int64) if jax.config.jax_enable_x64 else jax.random.randint(k3, (B,), 0, T, dtype=jnp.int32)
    return {"x0": x0, "t": t, "noise": noise}


def reference(x0, t, noise):
    sqrt_alpha_bars, sqrt_one_minus_alpha_bars = _schedule()
    t = jnp.clip(t, 0, T - 1)
    # embedding-style gather from the precomputed schedule tables
    sqrt_alpha_bar_t = jnp.take(sqrt_alpha_bars, t, axis=0).reshape(-1, 1)
    sqrt_one_minus_alpha_bar_t = jnp.take(sqrt_one_minus_alpha_bars, t, axis=0).reshape(-1, 1)
    xt = sqrt_alpha_bar_t * x0 + sqrt_one_minus_alpha_bar_t * noise
    return (xt, noise)

if __name__ == "__main__":
    import jax
    _d = setup_inputs()
    print(jax.jit(kernel)(*tuple(_d.values())))

</pallas_src>

<mosaic_0001>
#map = affine_map<(d0, d1) -> (0)>
#map1 = affine_map<(d0, d1) -> (0, 0)>
module attributes {stable_mosaic.version = 14 : i64} {
  func.func @_sc_kernel(%arg0: i32, %arg1: i32, %arg2: memref<1024xf32, #tpu.memory_space<hbm>>, %arg3: memref<16384xi32, #tpu.memory_space<hbm>>, %arg4: memref<16384x128xf32, #tpu.memory_space<hbm>>, %arg5: memref<16384x128xf32, #tpu.memory_space<hbm>>, %arg6: memref<16384x128xf32, #tpu.memory_space<hbm>>, %arg7: memref<1024xf32, #tpu.memory_space<vmem>>, %arg8: memref<512xi32, #tpu.memory_space<vmem>>, %arg9: memref<512xf32, #tpu.memory_space<vmem>>, %arg10: memref<512xf32, #tpu.memory_space<vmem>>, %arg11: memref<2x128x128xf32, #tpu.memory_space<vmem>>, %arg12: memref<2x128x128xf32, #tpu.memory_space<vmem>>, %arg13: memref<2x128x128xf32, #tpu.memory_space<vmem>>, %arg14: memref<!tpu.dma_semaphore, #tpu.memory_space<semaphore_mem>>, %arg15: memref<!tpu.dma_semaphore, #tpu.memory_space<semaphore_mem>>, %arg16: memref<!tpu.dma_semaphore, #tpu.memory_space<semaphore_mem>>, %arg17: memref<!tpu.dma_semaphore, #tpu.memory_space<semaphore_mem>>) attributes {dimension_semantics = [#tpu.dimension_semantics<core_parallel>, #tpu.dimension_semantics<subcore_parallel>], iteration_bounds = array<i64: 2, 16>, scalar_prefetch = 0 : i64, scratch_operands = 11 : i64, tpu.core_type = #tpu.core_type<sc_vector_subcore>, window_params = [{transform_indices = #map}, {transform_indices = #map}, {transform_indices = #map1}, {transform_indices = #map1}, {transform_indices = #map1}]} {
    %mul3A = arith.constant 2 : i32
    %mul3A_0 = arith.muli %arg1, %mul3A : i32
    %add3A = arith.addi %mul3A_0, %arg0 : i32
    %mul3A_1 = arith.constant 512 : i32
    %mul3A_2 = arith.muli %add3A, %mul3A_1 : i32
    %add3A_3 = arith.constant 0 : i32
    %add3A_4 = arith.addi %mul3A_2, %add3A_3 : i32
    %add3A_5 = arith.constant 0 : i32
    %add3A_6 = arith.addi %add3A_4, %add3A_5 : i32
    %dma_start3A = arith.constant 0 : i32
    %dma_start3A_7 = arith.constant 0 : i32
    %dma_start3A_8 = arith.constant 0 : i32
    %dma_start3A_9 = tpu.memref_slice %arg11[%dma_start3A, %dma_start3A_7, %dma_start3A_8] : memref<2x128x128xf32, #tpu.memory_space<vmem>> -> memref<1x32x128xf32, #tpu.memory_space<vmem>>
    %dma_start3A_10 = tpu.memref_squeeze %dma_start3A_9 : memref<1x32x128xf32, #tpu.memory_space<vmem>> -> memref<32x128xf32, #tpu.memory_space<vmem>>
    %dma_start3A_11 = arith.constant 0 : i32
    %dma_start3A_12 = tpu.memref_slice %arg4[%add3A_6, %dma_start3A_11] : memref<16384x128xf32, #tpu.memory_space<hbm>> -> memref<32x128xf32, #tpu.memory_space<hbm>>
    %dma_start3A_13 = arith.constant 0 : i32
    %dma_start3A_14 = arith.constant 0 : i32
    %dma_start3A_15 = tpu.memref_slice %arg11[%dma_start3A, %dma_start3A_13, %dma_start3A_14] : memref<2x128x128xf32, #tpu.memory_space<vmem>> -> memref<1x32x128xf32, #tpu.memory_space<vmem>>
    %dma_start3A_16 = tpu.memref_squeeze %dma_start3A_15 : memref<1x32x128xf32, #tpu.memory_space<vmem>> -> memref<32x128xf32, #tpu.memory_space<vmem>>
    %dma_start3A_17 = arith.constant 0 : i32
    %dma_start3A_18 = tpu.memref_slice %arg4[%add3A_6, %dma_start3A_17] : memref<16384x128xf32, #tpu.memory_space<hbm>> -> memref<32x128xf32, #tpu.memory_space<hbm>>
    tpu.enqueue_dma source(%dma_start3A_18 : memref<32x128xf32, #tpu.memory_space<hbm>>) target(%dma_start3A_16 : memref<32x128xf32, #tpu.memory_space<vmem>>) target_semaphore(%arg14 : memref<!tpu.dma_semaphore, #tpu.memory_space<semaphore_mem>>)
    %add3A_19 = arith.constant 0 : i32
    %add3A_20 = arith.addi %add3A_4, %add3A_19 : i32
    %dma_start3A_21 = arith.constant 0 : i32
    %dma_start3A_22 = arith.constant 0 : i32
    %dma_start3A_23 = arith.constant 0 : i32
    %dma_start3A_24 = tpu.memref_slice %arg12[%dma_start3A_21, %dma_start3A_22, %dma_start3A_23] : memref<2x128x128xf32, #tpu.memory_space<vmem>> -> memref<1x32x128xf32, #tpu.memory_space<vmem>>
    %dma_start3A_25 = tpu.memref_squeeze %dma_start3A_24 : memref<1x32x128xf32, #tpu.memory_space<vmem>> -> memref<32x128xf32, #tpu.memory_space<vmem>>
    %dma_start3A_26 = arith.constant 0 : i32
    %dma_start3A_27 = tpu.memref_slice %arg5[%add3A_20, %dma_start3A_26] : memref<16384x128xf32, #tpu.memory_space<hbm>> -> memref<32x128xf32, #tpu.memory_space<hbm>>
    %dma_start3A_28 = arith.constant 0 : i32
    %dma_start3A_29 = arith.constant 0 : i32
    %dma_start3A_30 = tpu.memref_slice %arg12[%dma_start3A_21, %dma_start3A_28, %dma_start3A_29] : memref<2x128x128xf32, #tpu.memory_space<vmem>> -> memref<1x32x128xf32, #tpu.memory_space<vmem>>
    %dma_start3A_31 = tpu.memref_squeeze %dma_start3A_30 : memref<1x32x128xf32, #tpu.memory_space<vmem>> -> memref<32x128xf32, #tpu.memory_space<vmem>>
    %dma_start3A_32 = arith.constant 0 : i32
    %dma_start3A_33 = tpu.memref_slice %arg5[%add3A_20, %dma_start3A_32] : memref<16384x128xf32, #tpu.memory_space<hbm>> -> memref<32x128xf32, #tpu.memory_space<hbm>>
    tpu.enqueue_dma source(%dma_start3A_33 : memref<32x128xf32, #tpu.memory_space<hbm>>) target(%dma_start3A_31 : memref<32x128xf32, #tpu.memory_space<vmem>>) target_semaphore(%arg14 : memref<!tpu.dma_semaphore, #tpu.memory_space<semaphore_mem>>)
    %add3A_34 = arith.constant 32 : i32
    %add3A_35 = arith.addi %add3A_4, %add3A_34 : i32
    %dma_start3A_36 = arith.constant 0 : i32
    %dma_start3A_37 = arith.constant 32 : i32
    %dma_start3A_38 = arith.constant 0 : i32
    %dma_start3A_39 = tpu.memref_slice %arg11[%dma_start3A_36, %dma_start3A_37, %dma_start3A_38] : memref<2x128x128xf32, #tpu.memory_space<vmem>> -> memref<1x32x128xf32, #tpu.memory_space<vmem>>
    %dma_start3A_40 = tpu.memref_squeeze %dma_start3A_39 : memref<1x32x128xf32, #tpu.memory_space<vmem>> -> memref<32x128xf32, #tpu.memory_space<vmem>>
    %dma_start3A_41 = arith.constant 0 : i32
    %dma_start3A_42 = tpu.memref_slice %arg4[%add3A_35, %dma_start3A_41] : memref<16384x128xf32, #tpu.memory_space<hbm>> -> memref<32x128xf32, #tpu.memory_space<hbm>>
    %dma_start3A_43 = arith.constant 32 : i32
    %dma_start3A_44 = arith.constant 0 : i32
    %dma_start3A_45 = tpu.memref_slice %arg11[%dma_start3A_36, %dma_start3A_43, %dma_start3A_44] : memref<2x128x128xf32, #tpu.memory_space<vmem>> -> memref<1x32x128xf32, #tpu.memory_space<vmem>>
    %dma_start3A_46 = tpu.memref_squeeze %dma_start3A_45 : memref<1x32x128xf32, #tpu.memory_space<vmem>> -> memref<32x128xf32, #tpu.memory_space<vmem>>
    %dma_start3A_47 = arith.constant 0 : i32
    %dma_start3A_48 = tpu.memref_slice %arg4[%add3A_35, %dma_start3A_47] : memref<16384x128xf32, #tpu.memory_space<hbm>> -> memref<32x128xf32, #tpu.memory_space<hbm>>
    tpu.enqueue_dma source(%dma_start3A_48 : memref<32x128xf32, #tpu.memory_space<hbm>>) target(%dma_start3A_46 : memref<32x128xf32, #tpu.memory_space<vmem>>) target_semaphore(%arg14 : memref<!tpu.dma_semaphore, #tpu.memory_space<semaphore_mem>>)
    %add3A_49 = arith.constant 32 : i32
    %add3A_50 = arith.addi %add3A_4, %add3A_49 : i32
    %dma_start3A_51 = arith.constant 0 : i32
    %dma_start3A_52 = arith.constant 32 : i32
    %dma_start3A_53 = arith.constant 0 : i32
    %dma_start3A_54 = tpu.memref_slice %arg12[%dma_start3A_51, %dma_start3A_52, %dma_start3A_53] : memref<2x128x128xf32, #tpu.memory_space<vmem>> -> memref<1x32x128xf32, #tpu.memory_space<vmem>>
    %dma_start3A_55 = tpu.memref_squeeze %dma_start3A_54 : memref<1x32x128xf32, #tpu.memory_space<vmem>> -> memref<32x128xf32, #tpu.memory_space<vmem>>
    %dma_start3A_56 = arith.constant 0 : i32
    %dma_start3A_57 = tpu.memref_slice %arg5[%add3A_50, %dma_start3A_56] : memref<16384x128xf32, #tpu.memory_space<hbm>> -> memref<32x128xf32, #tpu.memory_space<hbm>>
    %dma_start3A_58 = arith.constant 32 : i32
    %dma_start3A_59 = arith.constant 0 : i32
    %dma_start3A_60 = tpu.memref_slice %arg12[%dma_start3A_51, %dma_start3A_58, %dma_start3A_59] : memref<2x128x128xf32, #tpu.memory_space<vmem>> -> memref<1x32x128xf32, #tpu.memory_space<vmem>>
    %dma_start3A_61 = tpu.memref_squeeze %dma_start3A_60 : memref<1x32x128xf32, #tpu.memory_space<vmem>> -> memref<32x128xf32, #tpu.memory_space<vmem>>
    %dma_start3A_62 = arith.constant 0 : i32
    %dma_start3A_63 = tpu.memref_slice %arg5[%add3A_50, %dma_start3A_62] : memref<16384x128xf32, #tpu.memory_space<hbm>> -> memref<32x128xf32, #tpu.memory_space<hbm>>
    tpu.enqueue_dma source(%dma_start3A_63 : memref<32x128xf32, #tpu.memory_space<hbm>>) target(%dma_start3A_61 : memref<32x128xf32, #tpu.memory_space<vmem>>) target_semaphore(%arg14 : memref<!tpu.dma_semaphore, #tpu.memory_space<semaphore_mem>>)
    %add3A_64 = arith.constant 64 : i32
    %add3A_65 = arith.addi %add3A_4, %add3A_64 : i32
    %dma_start3A_66 = arith.constant 0 : i32
    %dma_start3A_67 = arith.constant 64 : i32
    %dma_start3A_68 = arith.constant 0 : i32
    %dma_start3A_69 = tpu.memref_slice %arg11[%dma_start3A_66, %dma_start3A_67, %dma_start3A_68] : memref<2x128x128xf32, #tpu.memory_space<vmem>> -> memref<1x32x128xf32, #tpu.memory_space<vmem>>
    %dma_start3A_70 = tpu.memref_squeeze %dma_start3A_69 : memref<1x32x128xf32, #tpu.memory_space<vmem>> -> memref<32x128xf32, #tpu.memory_space<vmem>>
    %dma_start3A_71 = arith.constant 0 : i32
    %dma_start3A_72 = tpu.memref_slice %arg4[%add3A_65, %dma_start3A_71] : memref<16384x128xf32, #tpu.memory_space<hbm>> -> memref<32x128xf32, #tpu.memory_space<hbm>>
    %dma_start3A_73 = arith.constant 64 : i32
    %dma_start3A_74 = arith.constant 0 : i32
    %dma_start3A_75 = tpu.memref_slice %arg11[%dma_start3A_66, %dma_start3A_73, %dma_start3A_74] : memref<2x128x128xf32, #tpu.memory_space<vmem>> -> memref<1x32x128xf32, #tpu.memory_space<vmem>>
    %dma_start3A_76 = tpu.memref_squeeze %dma_start3A_75 : memref<1x32x128xf32, #tpu.memory_space<vmem>> -> memref<32x128xf32, #tpu.memory_space<vmem>>
    %dma_start3A_77 = arith.constant 0 : i32
    %dma_start3A_78 = tpu.memref_slice %arg4[%add3A_65, %dma_start3A_77] : memref<16384x128xf32, #tpu.memory_space<hbm>> -> memref<32x128xf32, #tpu.memory_space<hbm>>
    tpu.enqueue_dma source(%dma_start3A_78 : memref<32x128xf32, #tpu.memory_space<hbm>>) target(%dma_start3A_76 : memref<32x128xf32, #tpu.memory_space<vmem>>) target_semaphore(%arg14 : memref<!tpu.dma_semaphore, #tpu.memory_space<semaphore_mem>>)
    %add3A_79 = arith.constant 64 : i32
    %add3A_80 = arith.addi %add3A_4, %add3A_79 : i32
    %dma_start3A_81 = arith.constant 0 : i32
    %dma_start3A_82 = arith.constant 64 : i32
    %dma_start3A_83 = arith.constant 0 : i32
    %dma_start3A_84 = tpu.memref_slice %arg12[%dma_start3A_81, %dma_start3A_82, %dma_start3A_83] : memref<2x128x128xf32, #tpu.memory_space<vmem>> -> memref<1x32x128xf32, #tpu.memory_space<vmem>>
    %dma_start3A_85 = tpu.memref_squeeze %dma_start3A_84 : memref<1x32x128xf32, #tpu.memory_space<vmem>> -> memref<32x128xf32, #tpu.memory_space<vmem>>
    %dma_start3A_86 = arith.constant 0 : i32
    %dma_start3A_87 = tpu.memref_slice %arg5[%add3A_80, %dma_start3A_86] : memref<16384x128xf32, #tpu.memory_space<hbm>> -> memref<32x128xf32, #tpu.memory_space<hbm>>
    %dma_start3A_88 = arith.constant 64 : i32
    %dma_start3A_89 = arith.constant 0 : i32
    %dma_start3A_90 = tpu.memref_slice %arg12[%dma_start3A_81, %dma_start3A_88, %dma_start3A_89] : memref<2x128x128xf32, #tpu.memory_space<vmem>> -> memref<1x32x128xf32, #tpu.memory_space<vmem>>
    %dma_start3A_91 = tpu.memref_squeeze %dma_start3A_90 : memref<1x32x128xf32, #tpu.memory_space<vmem>> -> memref<32x128xf32, #tpu.memory_space<vmem>>
    %dma_start3A_92 = arith.constant 0 : i32
    %dma_start3A_93 = tpu.memref_slice %arg5[%add3A_80, %dma_start3A_92] : memref<16384x128xf32, #tpu.memory_space<hbm>> -> memref<32x128xf32, #tpu.memory_space<hbm>>
    tpu.enqueue_dma source(%dma_start3A_93 : memref<32x128xf32, #tpu.memory_space<hbm>>) target(%dma_start3A_91 : memref<32x128xf32, #tpu.memory_space<vmem>>) target_semaphore(%arg14 : memref<!tpu.dma_semaphore, #tpu.memory_space<semaphore_mem>>)
    %add3A_94 = arith.constant 96 : i32
    %add3A_95 = arith.addi %add3A_4, %add3A_94 : i32
    %dma_start3A_96 = arith.constant 0 : i32
    %dma_start3A_97 = arith.constant 96 : i32
    %dma_start3A_98 = arith.constant 0 : i32
    %dma_start3A_99 = tpu.memref_slice %arg11[%dma_start3A_96, %dma_start3A_97, %dma_start3A_98] : memref<2x128x128xf32, #tpu.memory_space<vmem>> -> memref<1x32x128xf32, #tpu.memory_space<vmem>>
    %dma_start3A_100 = tpu.memref_squeeze %dma_start3A_99 : memref<1x32x128xf32, #tpu.memory_space<vmem>> -> memref<32x128xf32, #tpu.memory_space<vmem>>
    %dma_start3A_101 = arith.constant 0 : i32
    %dma_start3A_102 = tpu.memref_slice %arg4[%add3A_95, %dma_start3A_101] : memref<16384x128xf32, #tpu.memory_space<hbm>> -> memref<32x128xf32, #tpu.memory_space<hbm>>
    %dma_start3A_103 = arith.constant 96 : i32
    %dma_start3A_104 = arith.constant 0 : i32
    %dma_start3A_105 = tpu.memref_slice %arg11[%dma_start3A_96, %dma_start3A_103, %dma_start3A_104] : memref<2x128x128xf32, #tpu.memory_space<vmem>> -> memref<1x32x128xf32, #tpu.memory_space<vmem>>
    %dma_start3A_106 = tpu.memref_squeeze %dma_start3A_105 : memref<1x32x128xf32, #tpu.memory_space<vmem>> -> memref<32x128xf32, #tpu.memory_space<vmem>>
    %dma_start3A_107 = arith.constant 0 : i32
    %dma_start3A_108 = tpu.memref_slice %arg4[%add3A_95, %dma_start3A_107] : memref<16384x128xf32, #tpu.memory_space<hbm>> -> memref<32x128xf32, #tpu.memory_space<hbm>>
    tpu.enqueue_dma source(%dma_start3A_108 : memref<32x128xf32, #tpu.memory_space<hbm>>) target(%dma_start3A_106 : memref<32x128xf32, #tpu.memory_space<vmem>>) target_semaphore(%arg14 : memref<!tpu.dma_semaphore, #tpu.memory_space<semaphore_mem>>)
    %add3A_109 = arith.constant 96 : i32
    %add3A_110 = arith.addi %add3A_4, %add3A_109 : i32
    %dma_start3A_111 = arith.constant 0 : i32
    %dma_start3A_112 = arith.constant 96 : i32
    %dma_start3A_113 = arith.constant 0 : i32
    %dma_start3A_114 = tpu.memref_slice %arg12[%dma_start3A_111, %dma_start3A_112, %dma_start3A_113] : memref<2x128x128xf32, #tpu.memory_space<vmem>> -> memref<1x32x128xf32, #tpu.memory_space<vmem>>
    %dma_start3A_115 = tpu.memref_squeeze %dma_start3A_114 : memref<1x32x128xf32, #tpu.memory_space<vmem>> -> memref<32x128xf32, #tpu.memory_space<vmem>>
    %dma_start3A_116 = arith.constant 0 : i32
    %dma_start3A_117 = tpu.memref_slice %arg5[%add3A_110, %dma_start3A_116] : memref<16384x128xf32, #tpu.memory_space<hbm>> -> memref<32x128xf32, #tpu.memory_space<hbm>>
    %dma_start3A_118 = arith.constant 96 : i32
    %dma_start3A_119 = arith.constant 0 : i32
    %dma_start3A_120 = tpu.memref_slice %arg12[%dma_start3A_111, %dma_start3A_118, %dma_start3A_119] : memref<2x128x128xf32, #tpu.memory_space<vmem>> -> memref<1x32x128xf32, #tpu.memory_space<vmem>>
    %dma_start3A_121 = tpu.memref_squeeze %dma_start3A_120 : memref<1x32x128xf32, #tpu.memory_space<vmem>> -> memref<32x128xf32, #tpu.memory_space<vmem>>
    %dma_start3A_122 = arith.constant 0 : i32
    %dma_start3A_123 = tpu.memref_slice %arg5[%add3A_110, %dma_start3A_122] : memref<16384x128xf32, #tpu.memory_space<hbm>> -> memref<32x128xf32, #tpu.memory_space<hbm>>
    tpu.enqueue_dma source(%dma_start3A_123 : memref<32x128xf32, #tpu.memory_space<hbm>>) target(%dma_start3A_121 : memref<32x128xf32, #tpu.memory_space<vmem>>) target_semaphore(%arg14 : memref<!tpu.dma_semaphore, #tpu.memory_space<semaphore_mem>>)
    "tpu.region"() ({
      %run_scoped3A = tpu.sem_alloc : memref<!tpu.dma_semaphore, #tpu.memory_space<semaphore_mem>>
      tpu.enqueue_dma source(%arg2 : memref<1024xf32, #tpu.memory_space<hbm>>) target(%arg7 : memref<1024xf32, #tpu.memory_space<vmem>>) target_semaphore(%run_scoped3A : memref<!tpu.dma_semaphore, #tpu.memory_space<semaphore_mem>>)
      tpu.wait_dma2 semaphore(%run_scoped3A : memref<!tpu.dma_semaphore, #tpu.memory_space<semaphore_mem>>) src(%arg2 : memref<1024xf32, #tpu.memory_space<hbm>>) dst(%arg7 : memref<1024xf32, #tpu.memory_space<vmem>>)
      tpu.yield
    }) : () -> ()
    "tpu.region"() ({
      %run_scoped3A = tpu.sem_alloc : memref<!tpu.dma_semaphore, #tpu.memory_space<semaphore_mem>>
      %dma_start3A_279 = tpu.memref_slice %arg3[%mul3A_2] : memref<16384xi32, #tpu.memory_space<hbm>> -> memref<512xi32, #tpu.memory_space<hbm>>
      %dma_start3A_280 = tpu.memref_slice %arg3[%mul3A_2] : memref<16384xi32, #tpu.memory_space<hbm>> -> memref<512xi32, #tpu.memory_space<hbm>>
      tpu.enqueue_dma source(%dma_start3A_280 : memref<512xi32, #tpu.memory_space<hbm>>) target(%arg8 : memref<512xi32, #tpu.memory_space<vmem>>) target_semaphore(%run_scoped3A : memref<!tpu.dma_semaphore, #tpu.memory_space<semaphore_mem>>)
      %dma_wait3A_281 = tpu.memref_slice %arg3[%mul3A_2] : memref<16384xi32, #tpu.memory_space<hbm>> -> memref<512xi32, #tpu.memory_space<hbm>>
      %dma_wait3A_282 = tpu.memref_slice %arg3[%mul3A_2] : memref<16384xi32, #tpu.memory_space<hbm>> -> memref<512xi32, #tpu.memory_space<hbm>>
      tpu.wait_dma2 semaphore(%run_scoped3A : memref<!tpu.dma_semaphore, #tpu.memory_space<semaphore_mem>>) src(%dma_wait3A_282 : memref<512xi32, #tpu.memory_space<hbm>>) dst(%arg8 : memref<512xi32, #tpu.memory_space<vmem>>)
      tpu.yield
    }) : () -> ()
    %parallel_loop3A = arith.constant 0 : i32
    %parallel_loop3A_124 = arith.constant 512 : i32
    %parallel_loop3A_125 = arith.constant 16 : i32
    scf.for %parallel_loop3A_279 = %parallel_loop3A to %parallel_loop3A_124 step %parallel_loop3A_125  : i32 {
      %parallel_loop3A_280 = arith.index_cast %parallel_loop3A_279 : i32 to index
      %parallel_loop3A_281 = tpu.vector_load %arg8[%parallel_loop3A_280] {strides = array<i32>} : memref<512xi32, #tpu.memory_space<vmem>>, vector<16xi32>,
      %parallel_loop3A_282 = tpu.vector_load_idx %arg7[%parallel_loop3A_281] : memref<1024xf32, #tpu.memory_space<vmem>>[vector<16xi32>], vector<16xf32>,
      %parallel_loop3A_283 = arith.index_cast %parallel_loop3A_279 : i32 to index
      %parallel_loop3A_284 = tpu.vector_load %arg9[%parallel_loop3A_283] {strides = array<i32>} : memref<512xf32, #tpu.memory_space<vmem>>, vector<16xf32>,
      tpu.vector_store %arg9[%parallel_loop3A_283], %parallel_loop3A_282 {strides = array<i32>} : memref<512xf32, #tpu.memory_space<vmem>>, vector<16xf32>,
      %parallel_loop3A_285 = arith.constant 512 : i32
      %parallel_loop3A_286 = vector.broadcast %parallel_loop3A_285 : i32 to vector<16xi32>
      %parallel_loop3A_287 = arith.addi %parallel_loop3A_281, %parallel_loop3A_286 : vector<16xi32>
      %parallel_loop3A_288 = tpu.vector_load_idx %arg7[%parallel_loop3A_287] : memref<1024xf32, #tpu.memory_space<vmem>>[vector<16xi32>], vector<16xf32>,
      %parallel_loop3A_289 = arith.index_cast %parallel_loop3A_279 : i32 to index
      %parallel_loop3A_290 = tpu.vector_load %arg10[%parallel_loop3A_289] {strides = array<i32>} : memref<512xf32, #tpu.memory_space<vmem>>, vector<16xf32>,
      tpu.vector_store %arg10[%parallel_loop3A_289], %parallel_loop3A_288 {strides = array<i32>} : memref<512xf32, #tpu.memory_space<vmem>>, vector<16xf32>,
    } {sc.loop_unroll_factor = 4 : i64, sc.parallel_access}
    %add3A_126 = arith.constant 128 : i32
    %add3A_127 = arith.addi %mul3A_2, %add3A_126 : i32
    %add3A_128 = arith.constant 0 : i32
    %add3A_129 = arith.addi %add3A_127, %add3A_128 : i32
    %dma_start3A_130 = arith.constant 1 : i32
    %dma_start3A_131 = arith.constant 0 : i32
    %dma_start3A_132 = arith.constant 0 : i32
    %dma_start3A_133 = tpu.memref_slice %arg11[%dma_start3A_130, %dma_start3A_131, %dma_start3A_132] : memref<2x128x128xf32, #tpu.memory_space<vmem>> -> memref<1x32x128xf32, #tpu.memory_space<vmem>>
    %dma_start3A_134 = tpu.memref_squeeze %dma_start3A_133 : memref<1x32x128xf32, #tpu.memory_space<vmem>> -> memref<32x128xf32, #tpu.memory_space<vmem>>
    %dma_start3A_135 = arith.constant 0 : i32
    %dma_start3A_136 = tpu.memref_slice %arg4[%add3A_129, %dma_start3A_135] : memref<16384x128xf32, #tpu.memory_space<hbm>> -> memref<32x128xf32, #tpu.memory_space<hbm>>
    %dma_start3A_137 = arith.constant 0 : i32
    %dma_start3A_138 = arith.constant 0 : i32
    %dma_start3A_139 = tpu.memref_slice %arg11[%dma_start3A_130, %dma_start3A_137, %dma_start3A_138] : memref<2x128x128xf32, #tpu.memory_space<vmem>> -> memref<1x32x128xf32, #tpu.memory_space<vmem>>
    %dma_start3A_140 = tpu.memref_squeeze %dma_start3A_139 : memref<1x32x128xf32, #tpu.memory_space<vmem>> -> memref<32x128xf32, #tpu.memory_space<vmem>>
    %dma_start3A_141 = arith.constant 0 : i32
    %dma_start3A_142 = tpu.memref_slice %arg4[%add3A_129, %dma_start3A_141] : memref<16384x128xf32, #tpu.memory_space<hbm>> -> memref<32x128xf32, #tpu.memory_space<hbm>>
    tpu.enqueue_dma source(%dma_start3A_142 : memref<32x128xf32, #tpu.memory_space<hbm>>) target(%dma_start3A_140 : memref<32x128xf32, #tpu.memory_space<vmem>>) target_semaphore(%arg15 : memref<!tpu.dma_semaphore, #tpu.memory_space<semaphore_mem>>)
    %add3A_143 = arith.constant 0 : i32
    %add3A_144 = arith.addi %add3A_127, %add3A_143 : i32
    %dma_start3A_145 = arith.constant 1 : i32
    %dma_start3A_146 = arith.constant 0 : i32
    %dma_start3A_147 = arith.constant 0 : i32
    %dma_start3A_148 = tpu.memref_slice %arg12[%dma_start3A_145, %dma_start3A_146, %dma_start3A_147] : memref<2x128x128xf32, #tpu.memory_space<vmem>> -> memref<1x32x128xf32, #tpu.memory_space<vmem>>
    %dma_start3A_149 = tpu.memref_squeeze %dma_start3A_148 : memref<1x32x128xf32, #tpu.memory_space<vmem>> -> memref<32x128xf32, #tpu.memory_space<vmem>>
    %dma_start3A_150 = arith.constant 0 : i32
    %dma_start3A_151 = tpu.memref_slice %arg5[%add3A_144, %dma_start3A_150] : memref<16384x128xf32, #tpu.memory_space<hbm>> -> memref<32x128xf32, #tpu.memory_space<hbm>>
    %dma_start3A_152 = arith.constant 0 : i32
    %dma_start3A_153 = arith.constant 0 : i32
    %dma_start3A_154 = tpu.memref_slice %arg12[%dma_start3A_145, %dma_start3A_152, %dma_start3A_153] : memref<2x128x128xf32, #tpu.memory_space<vmem>> -> memref<1x32x128xf32, #tpu.memory_space<vmem>>
    %dma_start3A_155 = tpu.memref_squeeze %dma_start3A_154 : memref<1x32x128xf32, #tpu.memory_space<vmem>> -> memref<32x128xf32, #tpu.memory_space<vmem>>
    %dma_start3A_156 = arith.constant 0 : i32
    %dma_start3A_157 = tpu.memref_slice %arg5[%add3A_144, %dma_start3A_156] : memref<16384x128xf32, #tpu.memory_space<hbm>> -> memref<32x128xf32, #tpu.memory_space<hbm>>
    tpu.enqueue_dma source(%dma_start3A_157 : memref<32x128xf32, #tpu.memory_space<hbm>>) target(%dma_start3A_155 : memref<32x128xf32, #tpu.memory_space<vmem>>) target_semaphore(%arg15 : memref<!tpu.dma_semaphore, #tpu.memory_space<semaphore_mem>>)
    %add3A_158 = arith.constant 32 : i32
    %add3A_159 = arith.addi %add3A_127, %add3A_158 : i32
    %dma_start3A_160 = arith.constant 1 : i32
    %dma_start3A_161 = arith.constant 32 : i32
    %dma_start3A_162 = arith.constant 0 : i32
    %dma_start3A_163 = tpu.memref_slice %arg11[%dma_start3A_160, %dma_start3A_161, %dma_start3A_162] : memref<2x128x128xf32, #tpu.memory_space<vmem>> -> memref<1x32x128xf32, #tpu.memory_space<vmem>>
    %dma_start3A_164 = tpu.memref_squeeze %dma_start3A_163 : memref<1x32x128xf32, #tpu.memory_space<vmem>> -> memref<32x128xf32, #tpu.memory_space<vmem>>
    %dma_start3A_165 = arith.constant 0 : i32
    %dma_start3A_166 = tpu.memref_slice %arg4[%add3A_159, %dma_start3A_165] : memref<16384x128xf32, #tpu.memory_space<hbm>> -> memref<32x128xf32, #tpu.memory_space<hbm>>
    %dma_start3A_167 = arith.constant 32 : i32
    %dma_start3A_168 = arith.constant 0 : i32
    %dma_start3A_169 = tpu.memref_slice %arg11[%dma_start3A_160, %dma_start3A_167, %dma_start3A_168] : memref<2x128x128xf32, #tpu.memory_space<vmem>> -> memref<1x32x128xf32, #tpu.memory_space<vmem>>
    %dma_start3A_170 = tpu.memref_squeeze %dma_start3A_169 : memref<1x32x128xf32, #tpu.memory_space<vmem>> -> memref<32x128xf32, #tpu.memory_space<vmem>>
    %dma_start3A_171 = arith.constant 0 : i32
    %dma_start3A_172 = tpu.memref_slice %arg4[%add3A_159, %dma_start3A_171] : memref<16384x128xf32, #tpu.memory_space<hbm>> -> memref<32x128xf32, #tpu.memory_space<hbm>>
    tpu.enqueue_dma source(%dma_start3A_172 : memref<32x128xf32, #tpu.memory_space<hbm>>) target(%dma_start3A_170 : memref<32x128xf32, #tpu.memory_space<vmem>>) target_semaphore(%arg15 : memref<!tpu.dma_semaphore, #tpu.memory_space<semaphore_mem>>)
    %add3A_173 = arith.constant 32 : i32
    %add3A_174 = arith.addi %add3A_127, %add3A_173 : i32
    %dma_start3A_175 = arith.constant 1 : i32
    %dma_start3A_176 = arith.constant 32 : i32
    %dma_start3A_177 = arith.constant 0 : i32
    %dma_start3A_178 = tpu.memref_slice %arg12[%dma_start3A_175, %dma_start3A_176, %dma_start3A_177] : memref<2x128x128xf32, #tpu.memory_space<vmem>> -> memref<1x32x128xf32, #tpu.memory_space<vmem>>
    %dma_start3A_179 = tpu.memref_squeeze %dma_start3A_178 : memref<1x32x128xf32, #tpu.memory_space<vmem>> -> memref<32x128xf32, #tpu.memory_space<vmem>>
    %dma_start3A_180 = arith.constant 0 : i32
    %dma_start3A_181 = tpu.memref_slice %arg5[%add3A_174, %dma_start3A_180] : memref<16384x128xf32, #tpu.memory_space<hbm>> -> memref<32x128xf32, #tpu.memory_space<hbm>>
    %dma_start3A_182 = arith.constant 32 : i32
    %dma_start3A_183 = arith.constant 0 : i32
    %dma_start3A_184 = tpu.memref_slice %arg12[%dma_start3A_175, %dma_start3A_182, %dma_start3A_183] : memref<2x128x128xf32, #tpu.memory_space<vmem>> -> memref<1x32x128xf32, #tpu.memory_space<vmem>>
    %dma_start3A_185 = tpu.memref_squeeze %dma_start3A_184 : memref<1x32x128xf32, #tpu.memory_space<vmem>> -> memref<32x128xf32, #tpu.memory_space<vmem>>
    %dma_start3A_186 = arith.constant 0 : i32
    %dma_start3A_187 = tpu.memref_slice %arg5[%add3A_174, %dma_start3A_186] : memref<16384x128xf32, #tpu.memory_space<hbm>> -> memref<32x128xf32, #tpu.memory_space<hbm>>
    tpu.enqueue_dma source(%dma_start3A_187 : memref<32x128xf32, #tpu.memory_space<hbm>>) target(%dma_start3A_185 : memref<32x128xf32, #tpu.memory_space<vmem>>) target_semaphore(%arg15 : memref<!tpu.dma_semaphore, #tpu.memory_space<semaphore_mem>>)
    %add3A_188 = arith.constant 64 : i32
    %add3A_189 = arith.addi %add3A_127, %add3A_188 : i32
    %dma_start3A_190 = arith.constant 1 : i32
    %dma_start3A_191 = arith.constant 64 : i32
    %dma_start3A_192 = arith.constant 0 : i32
    %dma_start3A_193 = tpu.memref_slice %arg11[%dma_start3A_190, %dma_start3A_191, %dma_start3A_192] : memref<2x128x128xf32, #tpu.memory_space<vmem>> -> memref<1x32x128xf32, #tpu.memory_space<vmem>>
    %dma_start3A_194 = tpu.memref_squeeze %dma_start3A_193 : memref<1x32x128xf32, #tpu.memory_space<vmem>> -> memref<32x128xf32, #tpu.memory_space<vmem>>
    %dma_start3A_195 = arith.constant 0 : i32
    %dma_start3A_196 = tpu.memref_slice %arg4[%add3A_189, %dma_start3A_195] : memref<16384x128xf32, #tpu.memory_space<hbm>> -> memref<32x128xf32, #tpu.memory_space<hbm>>
    %dma_start3A_197 = arith.constant 64 : i32
    %dma_start3A_198 = arith.constant 0 : i32
    %dma_start3A_199 = tpu.memref_slice %arg11[%dma_start3A_190, %dma_start3A_197, %dma_start3A_198] : memref<2x128x128xf32, #tpu.memory_space<vmem>> -> memref<1x32x128xf32, #tpu.memory_space<vmem>>
    %dma_start3A_200 = tpu.memref_squeeze %dma_start3A_199 : memref<1x32x128xf32, #tpu.memory_space<vmem>> -> memref<32x128xf32, #tpu.memory_space<vmem>>
    %dma_start3A_201 = arith.constant 0 : i32
    %dma_start3A_202 = tpu.memref_slice %arg4[%add3A_189, %dma_start3A_201] : memref<16384x128xf32, #tpu.memory_space<hbm>> -> memref<32x128xf32, #tpu.memory_space<hbm>>
    tpu.enqueue_dma source(%dma_start3A_202 : memref<32x128xf32, #tpu.memory_space<hbm>>) target(%dma_start3A_200 : memref<32x128xf32, #tpu.memory_space<vmem>>) target_semaphore(%arg15 : memref<!tpu.dma_semaphore, #tpu.memory_space<semaphore_mem>>)
    %add3A_203 = arith.constant 64 : i32
    %add3A_204 = arith.addi %add3A_127, %add3A_203 : i32
    %dma_start3A_205 = arith.constant 1 : i32
    %dma_start3A_206 = arith.constant 64 : i32
    %dma_start3A_207 = arith.constant 0 : i32
    %dma_start3A_208 = tpu.memref_slice %arg12[%dma_start3A_205, %dma_start3A_206, %dma_start3A_207] : memref<2x128x128xf32, #tpu.memory_space<vmem>> -> memref<1x32x128xf32, #tpu.memory_space<vmem>>
    %dma_start3A_209 = tpu.memref_squeeze %dma_start3A_208 : memref<1x32x128xf32, #tpu.memory_space<vmem>> -> memref<32x128xf32, #tpu.memory_space<vmem>>
    %dma_start3A_210 = arith.constant 0 : i32
    %dma_start3A_211 = tpu.memref_slice %arg5[%add3A_204, %dma_start3A_210] : memref<16384x128xf32, #tpu.memory_space<hbm>> -> memref<32x128xf32, #tpu.memory_space<hbm>>
    %dma_start3A_212 = arith.constant 64 : i32
    %dma_start3A_213 = arith.constant 0 : i32
    %dma_start3A_214 = tpu.memref_slice %arg12[%dma_start3A_205, %dma_start3A_212, %dma_start3A_213] : memref<2x128x128xf32, #tpu.memory_space<vmem>> -> memref<1x32x128xf32, #tpu.memory_space<vmem>>
    %dma_start3A_215 = tpu.memref_squeeze %dma_start3A_214 : memref<1x32x128xf32, #tpu.memory_space<vmem>> -> memref<32x128xf32, #tpu.memory_space<vmem>>
    %dma_start3A_216 = arith.constant 0 : i32
    %dma_start3A_217 = tpu.memref_slice %arg5[%add3A_204, %dma_start3A_216] : memref<16384x128xf32, #tpu.memory_space<hbm>> -> memref<32x128xf32, #tpu.memory_space<hbm>>
    tpu.enqueue_dma source(%dma_start3A_217 : memref<32x128xf32, #tpu.memory_space<hbm>>) target(%dma_start3A_215 : memref<32x128xf32, #tpu.memory_space<vmem>>) target_semaphore(%arg15 : memref<!tpu.dma_semaphore, #tpu.memory_space<semaphore_mem>>)
    %add3A_218 = arith.constant 96 : i32
    %add3A_219 = arith.addi %add3A_127, %add3A_218 : i32
    %dma_start3A_220 = arith.constant 1 : i32
    %dma_start3A_221 = arith.constant 96 : i32
    %dma_start3A_222 = arith.constant 0 : i32
    %dma_start3A_223 = tpu.memref_slice %arg11[%dma_start3A_220, %dma_start3A_221, %dma_start3A_222] : memref<2x128x128xf32, #tpu.memory_space<vmem>> -> memref<1x32x128xf32, #tpu.memory_space<vmem>>
    %dma_start3A_224 = tpu.memref_squeeze %dma_start3A_223 : memref<1x32x128xf32, #tpu.memory_space<vmem>> -> memref<32x128xf32, #tpu.memory_space<vmem>>
    %dma_start3A_225 = arith.constant 0 : i32
    %dma_start3A_226 = tpu.memref_slice %arg4[%add3A_219, %dma_start3A_225] : memref<16384x128xf32, #tpu.memory_space<hbm>> -> memref<32x128xf32, #tpu.memory_space<hbm>>
    %dma_start3A_227 = arith.constant 96 : i32
    %dma_start3A_228 = arith.constant 0 : i32
    %dma_start3A_229 = tpu.memref_slice %arg11[%dma_start3A_220, %dma_start3A_227, %dma_start3A_228] : memref<2x128x128xf32, #tpu.memory_space<vmem>> -> memref<1x32x128xf32, #tpu.memory_space<vmem>>
    %dma_start3A_230 = tpu.memref_squeeze %dma_start3A_229 : memref<1x32x128xf32, #tpu.memory_space<vmem>> -> memref<32x128xf32, #tpu.memory_space<vmem>>
    %dma_start3A_231 = arith.constant 0 : i32
    %dma_start3A_232 = tpu.memref_slice %arg4[%add3A_219, %dma_start3A_231] : memref<16384x128xf32, #tpu.memory_space<hbm>> -> memref<32x128xf32, #tpu.memory_space<hbm>>
    tpu.enqueue_dma source(%dma_start3A_232 : memref<32x128xf32, #tpu.memory_space<hbm>>) target(%dma_start3A_230 : memref<32x128xf32, #tpu.memory_space<vmem>>) target_semaphore(%arg15 : memref<!tpu.dma_semaphore, #tpu.memory_space<semaphore_mem>>)
    %add3A_233 = arith.constant 96 : i32
    %add3A_234 = arith.addi %add3A_127, %add3A_233 : i32
    %dma_start3A_235 = arith.constant 1 : i32
    %dma_start3A_236 = arith.constant 96 : i32
    %dma_start3A_237 = arith.constant 0 : i32
    %dma_start3A_238 = tpu.memref_slice %arg12[%dma_start3A_235, %dma_start3A_236, %dma_start3A_237] : memref<2x128x128xf32, #tpu.memory_space<vmem>> -> memref<1x32x128xf32, #tpu.memory_space<vmem>>
    %dma_start3A_239 = tpu.memref_squeeze %dma_start3A_238 : memref<1x32x128xf32, #tpu.memory_space<vmem>> -> memref<32x128xf32, #tpu.memory_space<vmem>>
    %dma_start3A_240 = arith.constant 0 : i32
    %dma_start3A_241 = tpu.memref_slice %arg5[%add3A_234, %dma_start3A_240] : memref<16384x128xf32, #tpu.memory_space<hbm>> -> memref<32x128xf32, #tpu.memory_space<hbm>>
    %dma_start3A_242 = arith.constant 96 : i32
    %dma_start3A_243 = arith.constant 0 : i32
    %dma_start3A_244 = tpu.memref_slice %arg12[%dma_start3A_235, %dma_start3A_242, %dma_start3A_243] : memref<2x128x128xf32, #tpu.memory_space<vmem>> -> memref<1x32x128xf32, #tpu.memory_space<vmem>>
    %dma_start3A_245 = tpu.memref_squeeze %dma_start3A_244 : memref<1x32x128xf32, #tpu.memory_space<vmem>> -> memref<32x128xf32, #tpu.memory_space<vmem>>
    %dma_start3A_246 = arith.constant 0 : i32
    %dma_start3A_247 = tpu.memref_slice %arg5[%add3A_234, %dma_start3A_246] : memref<16384x128xf32, #tpu.memory_space<hbm>> -> memref<32x128xf32, #tpu.memory_space<hbm>>
    tpu.enqueue_dma source(%dma_start3A_247 : memref<32x128xf32, #tpu.memory_space<hbm>>) target(%dma_start3A_245 : memref<32x128xf32, #tpu.memory_space<vmem>>) target_semaphore(%arg15 : memref<!tpu.dma_semaphore, #tpu.memory_space<semaphore_mem>>)
    %scan3A = arith.constant 0 : i32
    %scan3A_248 = arith.constant 0 : i32
    %scan3A_249 = arith.constant 2 : i32
    %scan3A_250 = arith.addi %scan3A_248, %scan3A_249 : i32
    %scan3A_251 = arith.constant 1 : i32
    %scan3A_252 = scf.for %scan3A_279 = %scan3A_248 to %scan3A_250 step %scan3A_251 iter_args(%scan3A_280 = %scan3A) -> (i32)  : i32 {
      %mul3A_281 = arith.constant 2 : i32
      %mul3A_282 = arith.muli %scan3A_279, %mul3A_281 : i32
      %add3A_283 = arith.constant 0 : i32
      %add3A_284 = arith.addi %mul3A_282, %add3A_283 : i32
      %dma_wait3A_285 = arith.constant 0 : i32
      %dma_wait3A_286 = arith.constant 0 : i32
      %dma_wait3A_287 = arith.constant 0 : i32
      %dma_wait3A_288 = tpu.memref_slice %arg11[%dma_wait3A_285, %dma_wait3A_286, %dma_wait3A_287] : memref<2x128x128xf32, #tpu.memory_space<vmem>> -> memref<1x128x128xf32, #tpu.memory_space<vmem>>
      %dma_wait3A_289 = tpu.memref_squeeze %dma_wait3A_288 : memref<1x128x128xf32, #tpu.memory_space<vmem>> -> memref<128x128xf32, #tpu.memory_space<vmem>>
      %dma_wait3A_290 = arith.constant 0 : i32
      %dma_wait3A_291 = tpu.memref_slice %arg4[%mul3A_2, %dma_wait3A_290] : memref<16384x128xf32, #tpu.memory_space<hbm>> -> memref<128x128xf32, #tpu.memory_space<hbm>>
      %dma_wait3A_292 = arith.constant 0 : i32
      %dma_wait3A_293 = arith.constant 0 : i32
      %dma_wait3A_294 = tpu.memref_slice %arg11[%dma_wait3A_285, %dma_wait3A_292, %dma_wait3A_293] : memref<2x128x128xf32, #tpu.memory_space<vmem>> -> memref<1x128x128xf32, #tpu.memory_space<vmem>>
      %dma_wait3A_295 = tpu.memref_squeeze %dma_wait3A_294 : memref<1x128x128xf32, #tpu.memory_space<vmem>> -> memref<128x128xf32, #tpu.memory_space<vmem>>
      %dma_wait3A_296 = arith.constant 0 : i32
      %dma_wait3A_297 = tpu.memref_slice %arg4[%mul3A_2, %dma_wait3A_296] : memref<16384x128xf32, #tpu.memory_space<hbm>> -> memref<128x128xf32, #tpu.memory_space<hbm>>
      tpu.wait_dma2 semaphore(%arg14 : memref<!tpu.dma_semaphore, #tpu.memory_space<semaphore_mem>>) src(%dma_wait3A_297 : memref<128x128xf32, #tpu.memory_space<hbm>>) dst(%dma_wait3A_295 : memref<128x128xf32, #tpu.memory_space<vmem>>)
      %dma_wait3A_298 = arith.constant 0 : i32
      %dma_wait3A_299 = arith.constant 0 : i32
      %dma_wait3A_300 = arith.constant 0 : i32
      %dma_wait3A_301 = tpu.memref_slice %arg12[%dma_wait3A_298, %dma_wait3A_299, %dma_wait3A_300] : memref<2x128x128xf32, #tpu.memory_space<vmem>> -> memref<1x128x128xf32, #tpu.memory_space<vmem>>
      %dma_wait3A_302 = tpu.memref_squeeze %dma_wait3A_301 : memref<1x128x128xf32, #tpu.memory_space<vmem>> -> memref<128x128xf32, #tpu.memory_space<vmem>>
      %dma_wait3A_303 = arith.constant 0 : i32
      %dma_wait3A_304 = tpu.memref_slice %arg5[%mul3A_2, %dma_wait3A_303] : memref<16384x128xf32, #tpu.memory_space<hbm>> -> memref<128x128xf32, #tpu.memory_space<hbm>>
      %dma_wait3A_305 = arith.constant 0 : i32
      %dma_wait3A_306 = arith.constant 0 : i32
      %dma_wait3A_307 = tpu.memref_slice %arg12[%dma_wait3A_298, %dma_wait3A_305, %dma_wait3A_306] : memref<2x128x128xf32, #tpu.memory_space<vmem>> -> memref<1x128x128xf32, #tpu.memory_space<vmem>>
      %dma_wait3A_308 = tpu.memref_squeeze %dma_wait3A_307 : memref<1x128x128xf32, #tpu.memory_space<vmem>> -> memref<128x128xf32, #tpu.memory_space<vmem>>
      %dma_wait3A_309 = arith.constant 0 : i32
      %dma_wait3A_310 = tpu.memref_slice %arg5[%mul3A_2, %dma_wait3A_309] : memref<16384x128xf32, #tpu.memory_space<hbm>> -> memref<128x128xf32, #tpu.memory_space<hbm>>
      tpu.wait_dma2 semaphore(%arg14 : memref<!tpu.dma_semaphore, #tpu.memory_space<semaphore_mem>>) src(%dma_wait3A_310 : memref<128x128xf32, #tpu.memory_space<hbm>>) dst(%dma_wait3A_308 : memref<128x128xf32, #tpu.memory_space<vmem>>)
      %gt3A = arith.constant 0 : i32
      %gt3A_311 = arith.cmpi sgt, %scan3A_279, %gt3A : i32
      %convert_element_type3A = arith.extui %gt3A_311 : i1 to i32
      %cond3A = arith.constant 0 : i32
      %cond3A_312 = arith.cmpi ne, %convert_element_type3A, %cond3A : i32
      scf.if %cond3A_312 {
        %dma_wait3A_396 = arith.constant 0 : i32
        %dma_wait3A_397 = arith.constant 0 : i32
        %dma_wait3A_398 = arith.constant 0 : i32
        %dma_wait3A_399 = tpu.memref_slice %arg13[%dma_wait3A_396, %dma_wait3A_397, %dma_wait3A_398] : memref<2x128x128xf32, #tpu.memory_space<vmem>> -> memref<1x128x128xf32, #tpu.memory_space<vmem>>
        %dma_wait3A_400 = tpu.memref_squeeze %dma_wait3A_399 : memref<1x128x128xf32, #tpu.memory_space<vmem>> -> memref<128x128xf32, #tpu.memory_space<vmem>>
        %dma_wait3A_401 = arith.constant 0 : i32
        %dma_wait3A_402 = tpu.memref_slice %arg6[%mul3A_2, %dma_wait3A_401] : memref<16384x128xf32, #tpu.memory_space<hbm>> -> memref<128x128xf32, #tpu.memory_space<hbm>>
        %dma_wait3A_403 = arith.constant 0 : i32
        %dma_wait3A_404 = tpu.memref_slice %arg6[%mul3A_2, %dma_wait3A_403] : memref<16384x128xf32, #tpu.memory_space<hbm>> -> memref<128x128xf32, #tpu.memory_space<hbm>>
        %dma_wait3A_405 = arith.constant 0 : i32
        %dma_wait3A_406 = arith.constant 0 : i32
        %dma_wait3A_407 = tpu.memref_slice %arg13[%dma_wait3A_396, %dma_wait3A_405, %dma_wait3A_406] : memref<2x128x128xf32, #tpu.memory_space<vmem>> -> memref<1x128x128xf32, #tpu.memory_space<vmem>>
        %dma_wait3A_408 = tpu.memref_squeeze %dma_wait3A_407 : memref<1x128x128xf32, #tpu.memory_space<vmem>> -> memref<128x128xf32, #tpu.memory_space<vmem>>
        tpu.wait_dma2 semaphore(%arg16 : memref<!tpu.dma_semaphore, #tpu.memory_space<semaphore_mem>>) src(%dma_wait3A_408 : memref<128x128xf32, #tpu.memory_space<vmem>>) dst(%dma_wait3A_404 : memref<128x128xf32, #tpu.memory_space<hbm>>)
      } else {
      }
      %parallel_loop3A_313 = arith.constant 0 : i32
      %parallel_loop3A_314 = arith.constant 128 : i32
      %parallel_loop3A_315 = arith.constant 1 : i32
      scf.for %parallel_loop3A_396 = %parallel_loop3A_313 to %parallel_loop3A_314 step %parallel_loop3A_315  : i32 {
        %parallel_loop3A_397 = arith.constant 128 : i32
        %parallel_loop3A_398 = arith.muli %add3A_284, %parallel_loop3A_397 : i32
        %parallel_loop3A_399 = arith.addi %parallel_loop3A_398, %parallel_loop3A_396 : i32
        %parallel_loop3A_400 = vector.broadcast %parallel_loop3A_399 : i32 to vector<16xi32>
        %parallel_loop3A_401 = tpu.vector_load_idx %arg9[%parallel_loop3A_400] : memref<512xf32, #tpu.memory_space<vmem>>[vector<16xi32>], vector<16xf32>,
        %parallel_loop3A_402 = tpu.vector_load_idx %arg10[%parallel_loop3A_400] : memref<512xf32, #tpu.memory_space<vmem>>[vector<16xi32>], vector<16xf32>,
        %parallel_loop3A_403 = arith.constant 0 : i32
        %parallel_loop3A_404 = arith.index_cast %parallel_loop3A_403 : i32 to index
        %parallel_loop3A_405 = arith.index_cast %parallel_loop3A_396 : i32 to index
        %parallel_loop3A_406 = arith.constant 0 : index
        %parallel_loop3A_407 = tpu.vector_load %arg11[%parallel_loop3A_404, %parallel_loop3A_405, %parallel_loop3A_406] {strides = array<i32>} : memref<2x128x128xf32, #tpu.memory_space<vmem>>, vector<16xf32>,
        %parallel_loop3A_408 = arith.mulf %parallel_loop3A_401, %parallel_loop3A_407 : vector<16xf32>
        %parallel_loop3A_409 = arith.constant 0 : i32
        %parallel_loop3A_410 = arith.index_cast %parallel_loop3A_409 : i32 to index
        %parallel_loop3A_411 = arith.index_cast %parallel_loop3A_396 : i32 to index
        %parallel_loop3A_412 = arith.constant 0 : index
        %parallel_loop3A_413 = tpu.vector_load %arg12[%parallel_loop3A_410, %parallel_loop3A_411, %parallel_loop3A_412] {strides = array<i32>} : memref<2x128x128xf32, #tpu.memory_space<vmem>>, vector<16xf32>,
        %parallel_loop3A_414 = arith.mulf %parallel_loop3A_402, %parallel_loop3A_413 : vector<16xf32>
        %parallel_loop3A_415 = arith.addf %parallel_loop3A_408, %parallel_loop3A_414 : vector<16xf32>
        %parallel_loop3A_416 = arith.constant 0 : i32
        %parallel_loop3A_417 = arith.index_cast %parallel_loop3A_416 : i32 to index
        %parallel_loop3A_418 = arith.index_cast %parallel_loop3A_396 : i32 to index
        %parallel_loop3A_419 = arith.constant 0 : index
        %parallel_loop3A_420 = tpu.vector_load %arg13[%parallel_loop3A_417, %parallel_loop3A_418, %parallel_loop3A_419] {strides = array<i32>} : memref<2x128x128xf32, #tpu.memory_space<vmem>>, vector<16xf32>,
        tpu.vector_store %arg13[%parallel_loop3A_417, %parallel_loop3A_418, %parallel_loop3A_419], %parallel_loop3A_415 {strides = array<i32>} : memref<2x128x128xf32, #tpu.memory_space<vmem>>, vector<16xf32>,
        %parallel_loop3A_421 = arith.constant 0 : i32
        %parallel_loop3A_422 = arith.index_cast %parallel_loop3A_421 : i32 to index
        %parallel_loop3A_423 = arith.index_cast %parallel_loop3A_396 : i32 to index
        %parallel_loop3A_424 = arith.constant 16 : index
        %parallel_loop3A_425 = tpu.vector_load %arg11[%parallel_loop3A_422, %parallel_loop3A_423, %parallel_loop3A_424] {strides = array<i32>} : memref<2x128x128xf32, #tpu.memory_space<vmem>>, vector<16xf32>,
        %parallel_loop3A_426 = arith.mulf %parallel_loop3A_401, %parallel_loop3A_425 : vector<16xf32>
        %parallel_loop3A_427 = arith.constant 0 : i32
        %parallel_loop3A_428 = arith.index_cast %parallel_loop3A_427 : i32 to index
        %parallel_loop3A_429 = arith.index_cast %parallel_loop3A_396 : i32 to index
        %parallel_loop3A_430 = arith.constant 16 : index
        %parallel_loop3A_431 = tpu.vector_load %arg12[%parallel_loop3A_428, %parallel_loop3A_429, %parallel_loop3A_430] {strides = array<i32>} : memref<2x128x128xf32, #tpu.memory_space<vmem>>, vector<16xf32>,
        %parallel_loop3A_432 = arith.mulf %parallel_loop3A_402, %parallel_loop3A_431 : vector<16xf32>
        %parallel_loop3A_433 = arith.addf %parallel_loop3A_426, %parallel_loop3A_432 : vector<16xf32>
        %parallel_loop3A_434 = arith.constant 0 : i32
        %parallel_loop3A_435 = arith.index_cast %parallel_loop3A_434 : i32 to index
        %parallel_loop3A_436 = arith.index_cast %parallel_loop3A_396 : i32 to index
        %parallel_loop3A_437 = arith.constant 16 : index
        %parallel_loop3A_438 = tpu.vector_load %arg13[%parallel_loop3A_435, %parallel_loop3A_436, %parallel_loop3A_437] {strides = array<i32>} : memref<2x128x128xf32, #tpu.memory_space<vmem>>, vector<16xf32>,
        tpu.vector_store %arg13[%parallel_loop3A_435, %parallel_loop3A_436, %parallel_loop3A_437], %parallel_loop3A_433 {strides = array<i32>} : memref<2x128x128xf32, #tpu.memory_space<vmem>>, vector<16xf32>,
        %parallel_loop3A_439 = arith.constant 0 : i32
        %parallel_loop3A_440 = arith.index_cast %parallel_loop3A_439 : i32 to index
        %parallel_loop3A_441 = arith.index_cast %parallel_loop3A_396 : i32 to index
        %parallel_loop3A_442 = arith.constant 32 : index
        %parallel_loop3A_443 = tpu.vector_load %arg11[%parallel_loop3A_440, %parallel_loop3A_441, %parallel_loop3A_442] {strides = array<i32>} : memref<2x128x128xf32, #tpu.memory_space<vmem>>, vector<16xf32>,
        %parallel_loop3A_444 = arith.mulf %parallel_loop3A_401, %parallel_loop3A_443 : vector<16xf32>
        %parallel_loop3A_445 = arith.constant 0 : i32
        %parallel_loop3A_446 = arith.index_cast %parallel_loop3A_445 : i32 to index
        %parallel_loop3A_447 = arith.index_cast %parallel_loop3A_396 : i32 to index
        %parallel_loop3A_448 = arith.constant 32 : index
        %parallel_loop3A_449 = tpu.vector_load %arg12[%parallel_loop3A_446, %parallel_loop3A_447, %parallel_loop3A_448] {strides = array<i32>} : memref<2x128x128xf32, #tpu.memory_space<vmem>>, vector<16xf32>,
        %parallel_loop3A_450 = arith.mulf %parallel_loop3A_402, %parallel_loop3A_449 : vector<16xf32>
        %parallel_loop3A_451 = arith.addf %parallel_loop3A_444, %parallel_loop3A_450 : vector<16xf32>
        %parallel_loop3A_452 = arith.constant 0 : i32
        %parallel_loop3A_453 = arith.index_cast %parallel_loop3A_452 : i32 to index
        %parallel_loop3A_454 = arith.index_cast %parallel_loop3A_396 : i32 to index
        %parallel_loop3A_455 = arith.constant 32 : index
        %parallel_loop3A_456 = tpu.vector_load %arg13[%parallel_loop3A_453, %parallel_loop3A_454, %parallel_loop3A_455] {strides = array<i32>} : memref<2x128x128xf32, #tpu.memory_space<vmem>>, vector<16xf32>,
        tpu.vector_store %arg13[%parallel_loop3A_453, %parallel_loop3A_454, %parallel_loop3A_455], %parallel_loop3A_451 {strides = array<i32>} : memref<2x128x128xf32, #tpu.memory_space<vmem>>, vector<16xf32>,
        %parallel_loop3A_457 = arith.constant 0 : i32
        %parallel_loop3A_458 = arith.index_cast %parallel_loop3A_457 : i32 to index
        %parallel_loop3A_459 = arith.index_cast %parallel_loop3A_396 : i32 to index
        %parallel_loop3A_460 = arith.constant 48 : index
        %parallel_loop3A_461 = tpu.vector_load %arg11[%parallel_loop3A_458, %parallel_loop3A_459, %parallel_loop3A_460] {strides = array<i32>} : memref<2x128x128xf32, #tpu.memory_space<vmem>>, vector<16xf32>,
        %parallel_loop3A_462 = arith.mulf %parallel_loop3A_401, %parallel_loop3A_461 : vector<16xf32>
        %parallel_loop3A_463 = arith.constant 0 : i32
        %parallel_loop3A_464 = arith.index_cast %parallel_loop3A_463 : i32 to index
        %parallel_loop3A_465 = arith.index_cast %parallel_loop3A_396 : i32 to index
        %parallel_loop3A_466 = arith.constant 48 : index
        %parallel_loop3A_467 = tpu.vector_load %arg12[%parallel_loop3A_464, %parallel_loop3A_465, %parallel_loop3A_466] {strides = array<i32>} : memref<2x128x128xf32, #tpu.memory_space<vmem>>, vector<16xf32>,
        %parallel_loop3A_468 = arith.mulf %parallel_loop3A_402, %parallel_loop3A_467 : vector<16xf32>
        %parallel_loop3A_469 = arith.addf %parallel_loop3A_462, %parallel_loop3A_468 : vector<16xf32>
        %parallel_loop3A_470 = arith.constant 0 : i32
        %parallel_loop3A_471 = arith.index_cast %parallel_loop3A_470 : i32 to index
        %parallel_loop3A_472 = arith.index_cast %parallel_loop3A_396 : i32 to index
        %parallel_loop3A_473 = arith.constant 48 : index
        %parallel_loop3A_474 = tpu.vector_load %arg13[%parallel_loop3A_471, %parallel_loop3A_472, %parallel_loop3A_473] {strides = array<i32>} : memref<2x128x128xf32, #tpu.memory_space<vmem>>, vector<16xf32>,
        tpu.vector_store %arg13[%parallel_loop3A_471, %parallel_loop3A_472, %parallel_loop3A_473], %parallel_loop3A_469 {strides = array<i32>} : memref<2x128x128xf32, #tpu.memory_space<vmem>>, vector<16xf32>,
        %parallel_loop3A_475 = arith.constant 0 : i32
        %parallel_loop3A_476 = arith.index_cast %parallel_loop3A_475 : i32 to index
        %parallel_loop3A_477 = arith.index_cast %parallel_loop3A_396 : i32 to index
        %parallel_loop3A_478 = arith.constant 64 : index
        %parallel_loop3A_479 = tpu.vector_load %arg11[%parallel_loop3A_476, %parallel_loop3A_477, %parallel_loop3A_478] {strides = array<i32>} : memref<2x128x128xf32, #tpu.memory_space<vmem>>, vector<16xf32>,
        %parallel_loop3A_480 = arith.mulf %parallel_loop3A_401, %parallel_loop3A_479 : vector<16xf32>
        %parallel_loop3A_481 = arith.constant 0 : i32
        %parallel_loop3A_482 = arith.index_cast %parallel_loop3A_481 : i32 to index
        %parallel_loop3A_483 = arith.index_cast %parallel_loop3A_396 : i32 to index
        %parallel_loop3A_484 = arith.constant 64 : index
        %parallel_loop3A_485 = tpu.vector_load %arg12[%parallel_loop3A_482, %parallel_loop3A_483, %parallel_loop3A_484] {strides = array<i32>} : memref<2x128x128xf32, #tpu.memory_space<vmem>>, vector<16xf32>,
        %parallel_loop3A_486 = arith.mulf %parallel_loop3A_402, %parallel_loop3A_485 : vector<16xf32>
        %parallel_loop3A_487 = arith.addf %parallel_loop3A_480, %parallel_loop3A_486 : vector<16xf32>
        %parallel_loop3A_488 = arith.constant 0 : i32
        %parallel_loop3A_489 = arith.index_cast %parallel_loop3A_488 : i32 to index
        %parallel_loop3A_490 = arith.index_cast %parallel_loop3A_396 : i32 to index
        %parallel_loop3A_491 = arith.constant 64 : index
        %parallel_loop3A_492 = tpu.vector_load %arg13[%parallel_loop3A_489, %parallel_loop3A_490, %parallel_loop3A_491] {strides = array<i32>} : memref<2x128x128xf32, #tpu.memory_space<vmem>>, vector<16xf32>,
        tpu.vector_store %arg13[%parallel_loop3A_489, %parallel_loop3A_490, %parallel_loop3A_491], %parallel_loop3A_487 {strides = array<i32>} : memref<2x128x128xf32, #tpu.memory_space<vmem>>, vector<16xf32>,
        %parallel_loop3A_493 = arith.constant 0 : i32
        %parallel_loop3A_494 = arith.index_cast %parallel_loop3A_493 : i32 to index
        %parallel_loop3A_495 = arith.index_cast %parallel_loop3A_396 : i32 to index
        %parallel_loop3A_496 = arith.constant 80 : index
        %parallel_loop3A_497 = tpu.vector_load %arg11[%parallel_loop3A_494, %parallel_loop3A_495, %parallel_loop3A_496] {strides = array<i32>} : memref<2x128x128xf32, #tpu.memory_space<vmem>>, vector<16xf32>,
        %parallel_loop3A_498 = arith.mulf %parallel_loop3A_401, %parallel_loop3A_497 : vector<16xf32>
        %parallel_loop3A_499 = arith.constant 0 : i32
        %parallel_loop3A_500 = arith.index_cast %parallel_loop3A_499 : i32 to index
        %parallel_loop3A_501 = arith.index_cast %parallel_loop3A_396 : i32 to index
        %parallel_loop3A_502 = arith.constant 80 : index
        %parallel_loop3A_503 = tpu.vector_load %arg12[%parallel_loop3A_500, %parallel_loop3A_501, %parallel_loop3A_502] {strides = array<i32>} : memref<2x128x128xf32, #tpu.memory_space<vmem>>, vector<16xf32>,
        %parallel_loop3A_504 = arith.mulf %parallel_loop3A_402, %parallel_loop3A_503 : vector<16xf32>
        %parallel_loop3A_505 = arith.addf %parallel_loop3A_498, %parallel_loop3A_504 : vector<16xf32>
        %parallel_loop3A_506 = arith.constant 0 : i32
        %parallel_loop3A_507 = arith.index_cast %parallel_loop3A_506 : i32 to index
        %parallel_loop3A_508 = arith.index_cast %parallel_loop3A_396 : i32 to index
        %parallel_loop3A_509 = arith.constant 80 : index
        %parallel_loop3A_510 = tpu.vector_load %arg13[%parallel_loop3A_507, %parallel_loop3A_508, %parallel_loop3A_509] {strides = array<i32>} : memref<2x128x128xf32, #tpu.memory_space<vmem>>, vector<16xf32>,
        tpu.vector_store %arg13[%parallel_loop3A_507, %parallel_loop3A_508, %parallel_loop3A_509], %parallel_loop3A_505 {strides = array<i32>} : memref<2x128x128xf32, #tpu.memory_space<vmem>>, vector<16xf32>,
        %parallel_loop3A_511 = arith.constant 0 : i32
        %parallel_loop3A_512 = arith.index_cast %parallel_loop3A_511 : i32 to index
        %parallel_loop3A_513 = arith.index_cast %parallel_loop3A_396 : i32 to index
        %parallel_loop3A_514 = arith.constant 96 : index
        %parallel_loop3A_515 = tpu.vector_load %arg11[%parallel_loop3A_512, %parallel_loop3A_513, %parallel_loop3A_514] {strides = array<i32>} : memref<2x128x128xf32, #tpu.memory_space<vmem>>, vector<16xf32>,
        %parallel_loop3A_516 = arith.mulf %parallel_loop3A_401, %parallel_loop3A_515 : vector<16xf32>
        %parallel_loop3A_517 = arith.constant 0 : i32
        %parallel_loop3A_518 = arith.index_cast %parallel_loop3A_517 : i32 to index
        %parallel_loop3A_519 = arith.index_cast %parallel_loop3A_396 : i32 to index
        %parallel_loop3A_520 = arith.constant 96 : index
        %parallel_loop3A_521 = tpu.vector_load %arg12[%parallel_loop3A_518, %parallel_loop3A_519, %parallel_loop3A_520] {strides = array<i32>} : memref<2x128x128xf32, #tpu.memory_space<vmem>>, vector<16xf32>,
        %parallel_loop3A_522 = arith.mulf %parallel_loop3A_402, %parallel_loop3A_521 : vector<16xf32>
        %parallel_loop3A_523 = arith.addf %parallel_loop3A_516, %parallel_loop3A_522 : vector<16xf32>
        %parallel_loop3A_524 = arith.constant 0 : i32
        %parallel_loop3A_525 = arith.index_cast %parallel_loop3A_524 : i32 to index
        %parallel_loop3A_526 = arith.index_cast %parallel_loop3A_396 : i32 to index
        %parallel_loop3A_527 = arith.constant 96 : index
        %parallel_loop3A_528 = tpu.vector_load %arg13[%parallel_loop3A_525, %parallel_loop3A_526, %parallel_loop3A_527] {strides = array<i32>} : memref<2x128x128xf32, #tpu.memory_space<vmem>>, vector<16xf32>,
        tpu.vector_store %arg13[%parallel_loop3A_525, %parallel_loop3A_526, %parallel_loop3A_527], %parallel_loop3A_523 {strides = array<i32>} : memref<2x128x128xf32, #tpu.memory_space<vmem>>, vector<16xf32>,
        %parallel_loop3A_529 = arith.constant 0 : i32
        %parallel_loop3A_530 = arith.index_cast %parallel_loop3A_529 : i32 to index
        %parallel_loop3A_531 = arith.index_cast %parallel_loop3A_396 : i32 to index
        %parallel_loop3A_532 = arith.constant 112 : index
        %parallel_loop3A_533 = tpu.vector_load %arg11[%parallel_loop3A_530, %parallel_loop3A_531, %parallel_loop3A_532] {strides = array<i32>} : memref<2x128x128xf32, #tpu.memory_space<vmem>>, vector<16xf32>,
        %parallel_loop3A_534 = arith.mulf %parallel_loop3A_401, %parallel_loop3A_533 : vector<16xf32>
        %parallel_loop3A_535 = arith.constant 0 : i32
        %parallel_loop3A_536 = arith.index_cast %parallel_loop3A_535 : i32 to index
        %parallel_loop3A_537 = arith.index_cast %parallel_loop3A_396 : i32 to index
        %parallel_loop3A_538 = arith.constant 112 : index
        %parallel_loop3A_539 = tpu.vector_load %arg12[%parallel_loop3A_536, %parallel_loop3A_537, %parallel_loop3A_538] {strides = array<i32>} : memref<2x128x128xf32, #tpu.memory_space<vmem>>, vector<16xf32>,
        %parallel_loop3A_540 = arith.mulf %parallel_loop3A_402, %parallel_loop3A_539 : vector<16xf32>
        %parallel_loop3A_541 = arith.addf %parallel_loop3A_534, %parallel_loop3A_540 : vector<16xf32>
        %parallel_loop3A_542 = arith.constant 0 : i32
        %parallel_loop3A_543 = arith.index_cast %parallel_loop3A_542 : i32 to index
        %parallel_loop3A_544 = arith.index_cast %parallel_loop3A_396 : i32 to index
        %parallel_loop3A_545 = arith.constant 112 : index
        %parallel_loop3A_546 = tpu.vector_load %arg13[%parallel_loop3A_543, %parallel_loop3A_544, %parallel_loop3A_545] {strides = array<i32>} : memref<2x128x128xf32, #tpu.memory_space<vmem>>, vector<16xf32>,
        tpu.vector_store %arg13[%parallel_loop3A_543, %parallel_loop3A_544, %parallel_loop3A_545], %parallel_loop3A_541 {strides = array<i32>} : memref<2x128x128xf32, #tpu.memory_space<vmem>>, vector<16xf32>,
      } {sc.loop_unroll_factor = 2 : i64, sc.parallel_access}
      %mul3A_316 = arith.constant 128 : i32
      %mul3A_317 = arith.muli %add3A_284, %mul3A_316 : i32
      %add3A_318 = arith.addi %mul3A_2, %mul3A_317 : i32
      %dma_start3A_319 = arith.constant 0 : i32
      %dma_start3A_320 = arith.constant 0 : i32
      %dma_start3A_321 = arith.constant 0 : i32
      %dma_start3A_322 = tpu.memref_slice %arg13[%dma_start3A_319, %dma_start3A_320, %dma_start3A_321] : memref<2x128x128xf32, #tpu.memory_space<vmem>> -> memref<1x128x128xf32, #tpu.memory_space<vmem>>
      %dma_start3A_323 = tpu.memref_squeeze %dma_start3A_322 : memref<1x128x128xf32, #tpu.memory_space<vmem>> -> memref<128x128xf32, #tpu.memory_space<vmem>>
      %dma_start3A_324 = arith.constant 0 : i32
      %dma_start3A_325 = tpu.memref_slice %arg6[%add3A_318, %dma_start3A_324] : memref<16384x128xf32, #tpu.memory_space<hbm>> -> memref<128x128xf32, #tpu.memory_space<hbm>>
      %dma_start3A_326 = arith.constant 0 : i32
      %dma_start3A_327 = tpu.memref_slice %arg6[%add3A_318, %dma_start3A_326] : memref<16384x128xf32, #tpu.memory_space<hbm>> -> memref<128x128xf32, #tpu.memory_space<hbm>>
      %dma_start3A_328 = arith.constant 0 : i32
      %dma_start3A_329 = arith.constant 0 : i32
      %dma_start3A_330 = tpu.memref_slice %arg13[%dma_start3A_319, %dma_start3A_328, %dma_start3A_329] : memref<2x128x128xf32, #tpu.memory_space<vmem>> -> memref<1x128x128xf32, #tpu.memory_space<vmem>>
      %dma_start3A_331 = tpu.memref_squeeze %dma_start3A_330 : memref<1x128x128xf32, #tpu.memory_space<vmem>> -> memref<128x128xf32, #tpu.memory_space<vmem>>
      tpu.enqueue_dma source(%dma_start3A_331 : memref<128x128xf32, #tpu.memory_space<vmem>>) target(%dma_start3A_327 : memref<128x128xf32, #tpu.memory_space<hbm>>) target_semaphore(%arg16 : memref<!tpu.dma_semaphore, #tpu.memory_space<semaphore_mem>>)
      %lt3A = arith.constant 1 : i32
      %lt3A_332 = arith.cmpi slt, %scan3A_279, %lt3A : i32
      %convert_element_type3A_333 = arith.extui %lt3A_332 : i1 to i32
      %cond3A_334 = arith.constant 0 : i32
      %cond3A_335 = arith.cmpi ne, %convert_element_type3A_333, %cond3A_334 : i32
      scf.if %cond3A_335 {
        %add3A_396 = arith.constant 2 : i32
        %add3A_397 = arith.addi %add3A_284, %add3A_396 : i32
        %mul3A_398 = arith.constant 128 : i32
        %mul3A_399 = arith.muli %add3A_397, %mul3A_398 : i32
        %add3A_400 = arith.addi %mul3A_2, %mul3A_399 : i32
        %add3A_401 = arith.constant 0 : i32
        %add3A_402 = arith.addi %add3A_400, %add3A_401 : i32
        %dma_start3A_403 = arith.constant 0 : i32
        %dma_start3A_404 = arith.constant 0 : i32
        %dma_start3A_405 = arith.constant 0 : i32
        %dma_start3A_406 = tpu.memref_slice %arg11[%dma_start3A_403, %dma_start3A_404, %dma_start3A_405] : memref<2x128x128xf32, #tpu.memory_space<vmem>> -> memref<1x32x128xf32, #tpu.memory_space<vmem>>
        %dma_start3A_407 = tpu.memref_squeeze %dma_start3A_406 : memref<1x32x128xf32, #tpu.memory_space<vmem>> -> memref<32x128xf32, #tpu.memory_space<vmem>>
        %dma_start3A_408 = arith.constant 0 : i32
        %dma_start3A_409 = tpu.memref_slice %arg4[%add3A_402, %dma_start3A_408] : memref<16384x128xf32, #tpu.memory_space<hbm>> -> memref<32x128xf32, #tpu.memory_space<hbm>>
        %dma_start3A_410 = arith.constant 0 : i32
        %dma_start3A_411 = arith.constant 0 : i32
        %dma_start3A_412 = tpu.memref_slice %arg11[%dma_start3A_403, %dma_start3A_410, %dma_start3A_411] : memref<2x128x128xf32, #tpu.memory_space<vmem>> -> memref<1x32x128xf32, #tpu.memory_space<vmem>>
        %dma_start3A_413 = tpu.memref_squeeze %dma_start3A_412 : memref<1x32x128xf32, #tpu.memory_space<vmem>> -> memref<32x128xf32, #tpu.memory_space<vmem>>
        %dma_start3A_414 = arith.constant 0 : i32
        %dma_start3A_415 = tpu.memref_slice %arg4[%add3A_402, %dma_start3A_414] : memref<16384x128xf32, #tpu.memory_space<hbm>> -> memref<32x128xf32, #tpu.memory_space<hbm>>
        tpu.enqueue_dma source(%dma_start3A_415 : memref<32x128xf32, #tpu.memory_space<hbm>>) target(%dma_start3A_413 : memref<32x128xf32, #tpu.memory_space<vmem>>) target_semaphore(%arg14 : memref<!tpu.dma_semaphore, #tpu.memory_space<semaphore_mem>>)
        %add3A_416 = arith.constant 0 : i32
        %add3A_417 = arith.addi %add3A_400, %add3A_416 : i32
        %dma_start3A_418 = arith.constant 0 : i32
        %dma_start3A_419 = arith.constant 0 : i32
        %dma_start3A_420 = arith.constant 0 : i32
        %dma_start3A_421 = tpu.memref_slice %arg12[%dma_start3A_418, %dma_start3A_419, %dma_start3A_420] : memref<2x128x128xf32, #tpu.memory_space<vmem>> -> memref<1x32x128xf32, #tpu.memory_space<vmem>>
        %dma_start3A_422 = tpu.memref_squeeze %dma_start3A_421 : memref<1x32x128xf32, #tpu.memory_space<vmem>> -> memref<32x128xf32, #tpu.memory_space<vmem>>
        %dma_start3A_423 = arith.constant 0 : i32
        %dma_start3A_424 = tpu.memref_slice %arg5[%add3A_417, %dma_start3A_423] : memref<16384x128xf32, #tpu.memory_space<hbm>> -> memref<32x128xf32, #tpu.memory_space<hbm>>
        %dma_start3A_425 = arith.constant 0 : i32
        %dma_start3A_426 = arith.constant 0 : i32
        %dma_start3A_427 = tpu.memref_slice %arg12[%dma_start3A_418, %dma_start3A_425, %dma_start3A_426] : memref<2x128x128xf32, #tpu.memory_space<vmem>> -> memref<1x32x128xf32, #tpu.memory_space<vmem>>
        %dma_start3A_428 = tpu.memref_squeeze %dma_start3A_427 : memref<1x32x128xf32, #tpu.memory_space<vmem>> -> memref<32x128xf32, #tpu.memory_space<vmem>>
        %dma_start3A_429 = arith.constant 0 : i32
        %dma_start3A_430 = tpu.memref_slice %arg5[%add3A_417, %dma_start3A_429] : memref<16384x128xf32, #tpu.memory_space<hbm>> -> memref<32x128xf32, #tpu.memory_space<hbm>>
        tpu.enqueue_dma source(%dma_start3A_430 : memref<32x128xf32, #tpu.memory_space<hbm>>) target(%dma_start3A_428 : memref<32x128xf32, #tpu.memory_space<vmem>>) target_semaphore(%arg14 : memref<!tpu.dma_semaphore, #tpu.memory_space<semaphore_mem>>)
        %add3A_431 = arith.constant 32 : i32
        %add3A_432 = arith.addi %add3A_400, %add3A_431 : i32
        %dma_start3A_433 = arith.constant 0 : i32
        %dma_start3A_434 = arith.constant 32 : i32
        %dma_start3A_435 = arith.constant 0 : i32
        %dma_start3A_436 = tpu.memref_slice %arg11[%dma_start3A_433, %dma_start3A_434, %dma_start3A_435] : memref<2x128x128xf32, #tpu.memory_space<vmem>> -> memref<1x32x128xf32, #tpu.memory_space<vmem>>
        %dma_start3A_437 = tpu.memref_squeeze %dma_start3A_436 : memref<1x32x128xf32, #tpu.memory_space<vmem>> -> memref<32x128xf32, #tpu.memory_space<vmem>>
        %dma_start3A_438 = arith.constant 0 : i32
        %dma_start3A_439 = tpu.memref_slice %arg4[%add3A_432, %dma_start3A_438] : memref<16384x128xf32, #tpu.memory_space<hbm>> -> memref<32x128xf32, #tpu.memory_space<hbm>>
        %dma_start3A_440 = arith.constant 32 : i32
        %dma_start3A_441 = arith.constant 0 : i32
        %dma_start3A_442 = tpu.memref_slice %arg11[%dma_start3A_433, %dma_start3A_440, %dma_start3A_441] : memref<2x128x128xf32, #tpu.memory_space<vmem>> -> memref<1x32x128xf32, #tpu.memory_space<vmem>>
        %dma_start3A_443 = tpu.memref_squeeze %dma_start3A_442 : memref<1x32x128xf32, #tpu.memory_space<vmem>> -> memref<32x128xf32, #tpu.memory_space<vmem>>
        %dma_start3A_444 = arith.constant 0 : i32
        %dma_start3A_445 = tpu.memref_slice %arg4[%add3A_432, %dma_start3A_444] : memref<16384x128xf32, #tpu.memory_space<hbm>> -> memref<32x128xf32, #tpu.memory_space<hbm>>
        tpu.enqueue_dma source(%dma_start3A_445 : memref<32x128xf32, #tpu.memory_space<hbm>>) target(%dma_start3A_443 : memref<32x128xf32, #tpu.memory_space<vmem>>) target_semaphore(%arg14 : memref<!tpu.dma_semaphore, #tpu.memory_space<semaphore_mem>>)
        %add3A_446 = arith.constant 32 : i32
        %add3A_447 = arith.addi %add3A_400, %add3A_446 : i32
        %dma_start3A_448 = arith.constant 0 : i32
        %dma_start3A_449 = arith.constant 32 : i32
        %dma_start3A_450 = arith.constant 0 : i32
        %dma_start3A_451 = tpu.memref_slice %arg12[%dma_start3A_448, %dma_start3A_449, %dma_start3A_450] : memref<2x128x128xf32, #tpu.memory_space<vmem>> -> memref<1x32x128xf32, #tpu.memory_space<vmem>>
        %dma_start3A_452 = tpu.memref_squeeze %dma_start3A_451 : memref<1x32x128xf32, #tpu.memory_space<vmem>> -> memref<32x128xf32, #tpu.memory_space<vmem>>
        %dma_start3A_453 = arith.constant 0 : i32
        %dma_start3A_454 = tpu.memref_slice %arg5[%add3A_447, %dma_start3A_453] : memref<16384x128xf32, #tpu.memory_space<hbm>> -> memref<32x128xf32, #tpu.memory_space<hbm>>
        %dma_start3A_455 = arith.constant 32 : i32
        %dma_start3A_456 = arith.constant 0 : i32
        %dma_start3A_457 = tpu.memref_slice %arg12[%dma_start3A_448, %dma_start3A_455, %dma_start3A_456] : memref<2x128x128xf32, #tpu.memory_space<vmem>> -> memref<1x32x128xf32, #tpu.memory_space<vmem>>
        %dma_start3A_458 = tpu.memref_squeeze %dma_start3A_457 : memref<1x32x128xf32, #tpu.memory_space<vmem>> -> memref<32x128xf32, #tpu.memory_space<vmem>>
        %dma_start3A_459 = arith.constant 0 : i32
        %dma_start3A_460 = tpu.memref_slice %arg5[%add3A_447, %dma_start3A_459] : memref<16384x128xf32, #tpu.memory_space<hbm>> -> memref<32x128xf32, #tpu.memory_space<hbm>>
        tpu.enqueue_dma source(%dma_start3A_460 : memref<32x128xf32, #tpu.memory_space<hbm>>) target(%dma_start3A_458 : memref<32x128xf32, #tpu.memory_space<vmem>>) target_semaphore(%arg14 : memref<!tpu.dma_semaphore, #tpu.memory_space<semaphore_mem>>)
        %add3A_461 = arith.constant 64 : i32
        %add3A_462 = arith.addi %add3A_400, %add3A_461 : i32
        %dma_start3A_463 = arith.constant 0 : i32
        %dma_start3A_464 = arith.constant 64 : i32
        %dma_start3A_465 = arith.constant 0 : i32
        %dma_start3A_466 = tpu.memref_slice %arg11[%dma_start3A_463, %dma_start3A_464, %dma_start3A_465] : memref<2x128x128xf32, #tpu.memory_space<vmem>> -> memref<1x32x128xf32, #tpu.memory_space<vmem>>
        %dma_start3A_467 = tpu.memref_squeeze %dma_start3A_466 : memref<1x32x128xf32, #tpu.memory_space<vmem>> -> memref<32x128xf32, #tpu.memory_space<vmem>>
        %dma_start3A_468 = arith.constant 0 : i32
        %dma_start3A_469 = tpu.memref_slice %arg4[%add3A_462, %dma_start3A_468] : memref<16384x128xf32, #tpu.memory_space<hbm>> -> memref<32x128xf32, #tpu.memory_space<hbm>>
        %dma_start3A_470 = arith.constant 64 : i32
        %dma_start3A_471 = arith.constant 0 : i32
        %dma_start3A_472 = tpu.memref_slice %arg11[%dma_start3A_463, %dma_start3A_470, %dma_start3A_471] : memref<2x128x128xf32, #tpu.memory_space<vmem>> -> memref<1x32x128xf32, #tpu.memory_space<vmem>>
        %dma_start3A_473 = tpu.memref_squeeze %dma_start3A_472 : memref<1x32x128xf32, #tpu.memory_space<vmem>> -> memref<32x128xf32, #tpu.memory_space<vmem>>
        %dma_start3A_474 = arith.constant 0 : i32
        %dma_start3A_475 = tpu.memref_slice %arg4[%add3A_462, %dma_start3A_474] : memref<16384x128xf32, #tpu.memory_space<hbm>> -> memref<32x128xf32, #tpu.memory_space<hbm>>
        tpu.enqueue_dma source(%dma_start3A_475 : memref<32x128xf32, #tpu.memory_space<hbm>>) target(%dma_start3A_473 : memref<32x128xf32, #tpu.memory_space<vmem>>) target_semaphore(%arg14 : memref<!tpu.dma_semaphore, #tpu.memory_space<semaphore_mem>>)
        %add3A_476 = arith.constant 64 : i32
        %add3A_477 = arith.addi %add3A_400, %add3A_476 : i32
        %dma_start3A_478 = arith.constant 0 : i32
        %dma_start3A_479 = arith.constant 64 : i32
        %dma_start3A_480 = arith.constant 0 : i32
        %dma_start3A_481 = tpu.memref_slice %arg12[%dma_start3A_478, %dma_start3A_479, %dma_start3A_480] : memref<2x128x128xf32, #tpu.memory_space<vmem>> -> memref<1x32x128xf32, #tpu.memory_space<vmem>>
        %dma_start3A_482 = tpu.memref_squeeze %dma_start3A_481 : memref<1x32x128xf32, #tpu.memory_space<vmem>> -> memref<32x128xf32, #tpu.memory_space<vmem>>
        %dma_start3A_483 = arith.constant 0 : i32
        %dma_start3A_484 = tpu.memref_slice %arg5[%add3A_477, %dma_start3A_483] : memref<16384x128xf32, #tpu.memory_space<hbm>> -> memref<32x128xf32, #tpu.memory_space<hbm>>
        %dma_start3A_485 = arith.constant 64 : i32
        %dma_start3A_486 = arith.constant 0 : i32
        %dma_start3A_487 = tpu.memref_slice %arg12[%dma_start3A_478, %dma_start3A_485, %dma_start3A_486] : memref<2x128x128xf32, #tpu.memory_space<vmem>> -> memref<1x32x128xf32, #tpu.memory_space<vmem>>
        %dma_start3A_488 = tpu.memref_squeeze %dma_start3A_487 : memref<1x32x128xf32, #tpu.memory_space<vmem>> -> memref<32x128xf32, #tpu.memory_space<vmem>>
        %dma_start3A_489 = arith.constant 0 : i32
        %dma_start3A_490 = tpu.memref_slice %arg5[%add3A_477, %dma_start3A_489] : memref<16384x128xf32, #tpu.memory_space<hbm>> -> memref<32x128xf32, #tpu.memory_space<hbm>>
        tpu.enqueue_dma source(%dma_start3A_490 : memref<32x128xf32, #tpu.memory_space<hbm>>) target(%dma_start3A_488 : memref<32x128xf32, #tpu.memory_space<vmem>>) target_semaphore(%arg14 : memref<!tpu.dma_semaphore, #tpu.memory_space<semaphore_mem>>)
        %add3A_491 = arith.constant 96 : i32
        %add3A_492 = arith.addi %add3A_400, %add3A_491 : i32
        %dma_start3A_493 = arith.constant 0 : i32
        %dma_start3A_494 = arith.constant 96 : i32
        %dma_start3A_495 = arith.constant 0 : i32
        %dma_start3A_496 = tpu.memref_slice %arg11[%dma_start3A_493, %dma_start3A_494, %dma_start3A_495] : memref<2x128x128xf32, #tpu.memory_space<vmem>> -> memref<1x32x128xf32, #tpu.memory_space<vmem>>
        %dma_start3A_497 = tpu.memref_squeeze %dma_start3A_496 : memref<1x32x128xf32, #tpu.memory_space<vmem>> -> memref<32x128xf32, #tpu.memory_space<vmem>>
        %dma_start3A_498 = arith.constant 0 : i32
        %dma_start3A_499 = tpu.memref_slice %arg4[%add3A_492, %dma_start3A_498] : memref<16384x128xf32, #tpu.memory_space<hbm>> -> memref<32x128xf32, #tpu.memory_space<hbm>>
        %dma_start3A_500 = arith.constant 96 : i32
        %dma_start3A_501 = arith.constant 0 : i32
        %dma_start3A_502 = tpu.memref_slice %arg11[%dma_start3A_493, %dma_start3A_500, %dma_start3A_501] : memref<2x128x128xf32, #tpu.memory_space<vmem>> -> memref<1x32x128xf32, #tpu.memory_space<vmem>>
        %dma_start3A_503 = tpu.memref_squeeze %dma_start3A_502 : memref<1x32x128xf32, #tpu.memory_space<vmem>> -> memref<32x128xf32, #tpu.memory_space<vmem>>
        %dma_start3A_504 = arith.constant 0 : i32
        %dma_start3A_505 = tpu.memref_slice %arg4[%add3A_492, %dma_start3A_504] : memref<16384x128xf32, #tpu.memory_space<hbm>> -> memref<32x128xf32, #tpu.memory_space<hbm>>
        tpu.enqueue_dma source(%dma_start3A_505 : memref<32x128xf32, #tpu.memory_space<hbm>>) target(%dma_start3A_503 : memref<32x128xf32, #tpu.memory_space<vmem>>) target_semaphore(%arg14 : memref<!tpu.dma_semaphore, #tpu.memory_space<semaphore_mem>>)
        %add3A_506 = arith.constant 96 : i32
        %add3A_507 = arith.addi %add3A_400, %add3A_506 : i32
        %dma_start3A_508 = arith.constant 0 : i32
        %dma_start3A_509 = arith.constant 96 : i32
        %dma_start3A_510 = arith.constant 0 : i32
        %dma_start3A_511 = tpu.memref_slice %arg12[%dma_start3A_508, %dma_start3A_509, %dma_start3A_510] : memref<2x128x128xf32, #tpu.memory_space<vmem>> -> memref<1x32x128xf32, #tpu.memory_space<vmem>>
        %dma_start3A_512 = tpu.memref_squeeze %dma_start3A_511 : memref<1x32x128xf32, #tpu.memory_space<vmem>> -> memref<32x128xf32, #tpu.memory_space<vmem>>
        %dma_start3A_513 = arith.constant 0 : i32
        %dma_start3A_514 = tpu.memref_slice %arg5[%add3A_507, %dma_start3A_513] : memref<16384x128xf32, #tpu.memory_space<hbm>> -> memref<32x128xf32, #tpu.memory_space<hbm>>
        %dma_start3A_515 = arith.constant 96 : i32
        %dma_start3A_516 = arith.constant 0 : i32
        %dma_start3A_517 = tpu.memref_slice %arg12[%dma_start3A_508, %dma_start3A_515, %dma_start3A_516] : memref<2x128x128xf32, #tpu.memory_space<vmem>> -> memref<1x32x128xf32, #tpu.memory_space<vmem>>
        %dma_start3A_518 = tpu.memref_squeeze %dma_start3A_517 : memref<1x32x128xf32, #tpu.memory_space<vmem>> -> memref<32x128xf32, #tpu.memory_space<vmem>>
        %dma_start3A_519 = arith.constant 0 : i32
        %dma_start3A_520 = tpu.memref_slice %arg5[%add3A_507, %dma_start3A_519] : memref<16384x128xf32, #tpu.memory_space<hbm>> -> memref<32x128xf32, #tpu.memory_space<hbm>>
        tpu.enqueue_dma source(%dma_start3A_520 : memref<32x128xf32, #tpu.memory_space<hbm>>) target(%dma_start3A_518 : memref<32x128xf32, #tpu.memory_space<vmem>>) target_semaphore(%arg14 : memref<!tpu.dma_semaphore, #tpu.memory_space<semaphore_mem>>)
      } else {
      }
      %mul3A_336 = arith.constant 2 : i32
      %mul3A_337 = arith.muli %scan3A_279, %mul3A_336 : i32
      %add3A_338 = arith.constant 1 : i32
      %add3A_339 = arith.addi %mul3A_337, %add3A_338 : i32
      %dma_wait3A_340 = arith.constant 1 : i32
      %dma_wait3A_341 = arith.constant 0 : i32
      %dma_wait3A_342 = arith.constant 0 : i32
      %dma_wait3A_343 = tpu.memref_slice %arg11[%dma_wait3A_340, %dma_wait3A_341, %dma_wait3A_342] : memref<2x128x128xf32, #tpu.memory_space<vmem>> -> memref<1x128x128xf32, #tpu.memory_space<vmem>>
      %dma_wait3A_344 = tpu.memref_squeeze %dma_wait3A_343 : memref<1x128x128xf32, #tpu.memory_space<vmem>> -> memref<128x128xf32, #tpu.memory_space<vmem>>
      %dma_wait3A_345 = arith.constant 0 : i32
      %dma_wait3A_346 = tpu.memref_slice %arg4[%mul3A_2, %dma_wait3A_345] : memref<16384x128xf32, #tpu.memory_space<hbm>> -> memref<128x128xf32, #tpu.memory_space<hbm>>
      %dma_wait3A_347 = arith.constant 0 : i32
      %dma_wait3A_348 = arith.constant 0 : i32
      %dma_wait3A_349 = tpu.memref_slice %arg11[%dma_wait3A_340, %dma_wait3A_347, %dma_wait3A_348] : memref<2x128x128xf32, #tpu.memory_space<vmem>> -> memref<1x128x128xf32, #tpu.memory_space<vmem>>
      %dma_wait3A_350 = tpu.memref_squeeze %dma_wait3A_349 : memref<1x128x128xf32, #tpu.memory_space<vmem>> -> memref<128x128xf32, #tpu.memory_space<vmem>>
      %dma_wait3A_351 = arith.constant 0 : i32
      %dma_wait3A_352 = tpu.memref_slice %arg4[%mul3A_2, %dma_wait3A_351] : memref<16384x128xf32, #tpu.memory_space<hbm>> -> memref<128x128xf32, #tpu.memory_space<hbm>>
      tpu.wait_dma2 semaphore(%arg15 : memref<!tpu.dma_semaphore, #tpu.memory_space<semaphore_mem>>) src(%dma_wait3A_352 : memref<128x128xf32, #tpu.memory_space<hbm>>) dst(%dma_wait3A_350 : memref<128x128xf32, #tpu.memory_space<vmem>>)
      %dma_wait3A_353 = arith.constant 1 : i32
      %dma_wait3A_354 = arith.constant 0 : i32
      %dma_wait3A_355 = arith.constant 0 : i32
      %dma_wait3A_356 = tpu.memref_slice %arg12[%dma_wait3A_353, %dma_wait3A_354, %dma_wait3A_355] : memref<2x128x128xf32, #tpu.memory_space<vmem>> -> memref<1x128x128xf32, #tpu.memory_space<vmem>>
      %dma_wait3A_357 = tpu.memref_squeeze %dma_wait3A_356 : memref<1x128x128xf32, #tpu.memory_space<vmem>> -> memref<128x128xf32, #tpu.memory_space<vmem>>
      %dma_wait3A_358 = arith.constant 0 : i32
      %dma_wait3A_359 = tpu.memref_slice %arg5[%mul3A_2, %dma_wait3A_358] : memref<16384x128xf32, #tpu.memory_space<hbm>> -> memref<128x128xf32, #tpu.memory_space<hbm>>
      %dma_wait3A_360 = arith.constant 0 : i32
      %dma_wait3A_361 = arith.constant 0 : i32
      %dma_wait3A_362 = tpu.memref_slice %arg12[%dma_wait3A_353, %dma_wait3A_360, %dma_wait3A_361] : memref<2x128x128xf32, #tpu.memory_space<vmem>> -> memref<1x128x128xf32, #tpu.memory_space<vmem>>
      %dma_wait3A_363 = tpu.memref_squeeze %dma_wait3A_362 : memref<1x128x128xf32, #tpu.memory_space<vmem>> -> memref<128x128xf32, #tpu.memory_space<vmem>>
      %dma_wait3A_364 = arith.constant 0 : i32
      %dma_wait3A_365 = tpu.memref_slice %arg5[%mul3A_2, %dma_wait3A_364] : memref<16384x128xf32, #tpu.memory_space<hbm>> -> memref<128x128xf32, #tpu.memory_space<hbm>>
      tpu.wait_dma2 semaphore(%arg15 : memref<!tpu.dma_semaphore, #tpu.memory_space<semaphore_mem>>) src(%dma_wait3A_365 : memref<128x128xf32, #tpu.memory_space<hbm>>) dst(%dma_wait3A_363 : memref<128x128xf32, #tpu.memory_space<vmem>>)
      %gt3A_366 = arith.constant 0 : i32
      %gt3A_367 = arith.cmpi sgt, %scan3A_279, %gt3A_366 : i32
      %convert_element_type3A_368 = arith.extui %gt3A_367 : i1 to i32
      %cond3A_369 = arith.constant 0 : i32
      %cond3A_370 = arith.cmpi ne, %convert_element_type3A_368, %cond3A_369 : i32
      scf.if %cond3A_370 {
        %dma_wait3A_396 = arith.constant 1 : i32
        %dma_wait3A_397 = arith.constant 0 : i32
        %dma_wait3A_398 = arith.constant 0 : i32
        %dma_wait3A_399 = tpu.memref_slice %arg13[%dma_wait3A_396, %dma_wait3A_397, %dma_wait3A_398] : memref<2x128x128xf32, #tpu.memory_space<vmem>> -> memref<1x128x128xf32, #tpu.memory_space<vmem>>
        %dma_wait3A_400 = tpu.memref_squeeze %dma_wait3A_399 : memref<1x128x128xf32, #tpu.memory_space<vmem>> -> memref<128x128xf32, #tpu.memory_space<vmem>>
        %dma_wait3A_401 = arith.constant 0 : i32
        %dma_wait3A_402 = tpu.memref_slice %arg6[%mul3A_2, %dma_wait3A_401] : memref<16384x128xf32, #tpu.memory_space<hbm>> -> memref<128x128xf32, #tpu.memory_space<hbm>>
        %dma_wait3A_403 = arith.constant 0 : i32
        %dma_wait3A_404 = tpu.memref_slice %arg6[%mul3A_2, %dma_wait3A_403] : memref<16384x128xf32, #tpu.memory_space<hbm>> -> memref<128x128xf32, #tpu.memory_space<hbm>>
        %dma_wait3A_405 = arith.constant 0 : i32
        %dma_wait3A_406 = arith.constant 0 : i32
        %dma_wait3A_407 = tpu.memref_slice %arg13[%dma_wait3A_396, %dma_wait3A_405, %dma_wait3A_406] : memref<2x128x128xf32, #tpu.memory_space<vmem>> -> memref<1x128x128xf32, #tpu.memory_space<vmem>>
        %dma_wait3A_408 = tpu.memref_squeeze %dma_wait3A_407 : memref<1x128x128xf32, #tpu.memory_space<vmem>> -> memref<128x128xf32, #tpu.memory_space<vmem>>
        tpu.wait_dma2 semaphore(%arg17 : memref<!tpu.dma_semaphore, #tpu.memory_space<semaphore_mem>>) src(%dma_wait3A_408 : memref<128x128xf32, #tpu.memory_space<vmem>>) dst(%dma_wait3A_404 : memref<128x128xf32, #tpu.memory_space<hbm>>)
      } else {
      }
      %parallel_loop3A_371 = arith.constant 0 : i32
      %parallel_loop3A_372 = arith.constant 128 : i32
      %parallel_loop3A_373 = arith.constant 1 : i32
      scf.for %parallel_loop3A_396 = %parallel_loop3A_371 to %parallel_loop3A_372 step %parallel_loop3A_373  : i32 {
        %parallel_loop3A_397 = arith.constant 128 : i32
        %parallel_loop3A_398 = arith.muli %add3A_339, %parallel_loop3A_397 : i32
        %parallel_loop3A_399 = arith.addi %parallel_loop3A_398, %parallel_loop3A_396 : i32
        %parallel_loop3A_400 = vector.broadcast %parallel_loop3A_399 : i32 to vector<16xi32>
        %parallel_loop3A_401 = tpu.vector_load_idx %arg9[%parallel_loop3A_400] : memref<512xf32, #tpu.memory_space<vmem>>[vector<16xi32>], vector<16xf32>,
        %parallel_loop3A_402 = tpu.vector_load_idx %arg10[%parallel_loop3A_400] : memref<512xf32, #tpu.memory_space<vmem>>[vector<16xi32>], vector<16xf32>,
        %parallel_loop3A_403 = arith.constant 1 : i32
        %parallel_loop3A_404 = arith.index_cast %parallel_loop3A_403 : i32 to index
        %parallel_loop3A_405 = arith.index_cast %parallel_loop3A_396 : i32 to index
        %parallel_loop3A_406 = arith.constant 0 : index
        %parallel_loop3A_407 = tpu.vector_load %arg11[%parallel_loop3A_404, %parallel_loop3A_405, %parallel_loop3A_406] {strides = array<i32>} : memref<2x128x128xf32, #tpu.memory_space<vmem>>, vector<16xf32>,
        %parallel_loop3A_408 = arith.mulf %parallel_loop3A_401, %parallel_loop3A_407 : vector<16xf32>
        %parallel_loop3A_409 = arith.constant 1 : i32
        %parallel_loop3A_410 = arith.index_cast %parallel_loop3A_409 : i32 to index
        %parallel_loop3A_411 = arith.index_cast %parallel_loop3A_396 : i32 to index
        %parallel_loop3A_412 = arith.constant 0 : index
        %parallel_loop3A_413 = tpu.vector_load %arg12[%parallel_loop3A_410, %parallel_loop3A_411, %parallel_loop3A_412] {strides = array<i32>} : memref<2x128x128xf32, #tpu.memory_space<vmem>>, vector<16xf32>,
        %parallel_loop3A_414 = arith.mulf %parallel_loop3A_402, %parallel_loop3A_413 : vector<16xf32>
        %parallel_loop3A_415 = arith.addf %parallel_loop3A_408, %parallel_loop3A_414 : vector<16xf32>
        %parallel_loop3A_416 = arith.constant 1 : i32
        %parallel_loop3A_417 = arith.index_cast %parallel_loop3A_416 : i32 to index
        %parallel_loop3A_418 = arith.index_cast %parallel_loop3A_396 : i32 to index
        %parallel_loop3A_419 = arith.constant 0 : index
        %parallel_loop3A_420 = tpu.vector_load %arg13[%parallel_loop3A_417, %parallel_loop3A_418, %parallel_loop3A_419] {strides = array<i32>} : memref<2x128x128xf32, #tpu.memory_space<vmem>>, vector<16xf32>,
        tpu.vector_store %arg13[%parallel_loop3A_417, %parallel_loop3A_418, %parallel_loop3A_419], %parallel_loop3A_415 {strides = array<i32>} : memref<2x128x128xf32, #tpu.memory_space<vmem>>, vector<16xf32>,
        %parallel_loop3A_421 = arith.constant 1 : i32
        %parallel_loop3A_422 = arith.index_cast %parallel_loop3A_421 : i32 to index
        %parallel_loop3A_423 = arith.index_cast %parallel_loop3A_396 : i32 to index
        %parallel_loop3A_424 = arith.constant 16 : index
        %parallel_loop3A_425 = tpu.vector_load %arg11[%parallel_loop3A_422, %parallel_loop3A_423, %parallel_loop3A_424] {strides = array<i32>} : memref<2x128x128xf32, #tpu.memory_space<vmem>>, vector<16xf32>,
        %parallel_loop3A_426 = arith.mulf %parallel_loop3A_401, %parallel_loop3A_425 : vector<16xf32>
        %parallel_loop3A_427 = arith.constant 1 : i32
        %parallel_loop3A_428 = arith.index_cast %parallel_loop3A_427 : i32 to index
        %parallel_loop3A_429 = arith.index_cast %parallel_loop3A_396 : i32 to index
        %parallel_loop3A_430 = arith.constant 16 : index
        %parallel_loop3A_431 = tpu.vector_load %arg12[%parallel_loop3A_428, %parallel_loop3A_429, %parallel_loop3A_430] {strides = array<i32>} : memref<2x128x128xf32, #tpu.memory_space<vmem>>, vector<16xf32>,
        %parallel_loop3A_432 = arith.mulf %parallel_loop3A_402, %parallel_loop3A_431 : vector<16xf32>
        %parallel_loop3A_433 = arith.addf %parallel_loop3A_426, %parallel_loop3A_432 : vector<16xf32>
        %parallel_loop3A_434 = arith.constant 1 : i32
        %parallel_loop3A_435 = arith.index_cast %parallel_loop3A_434 : i32 to index
        %parallel_loop3A_436 = arith.index_cast %parallel_loop3A_396 : i32 to index
        %parallel_loop3A_437 = arith.constant 16 : index
        %parallel_loop3A_438 = tpu.vector_load %arg13[%parallel_loop3A_435, %parallel_loop3A_436, %parallel_loop3A_437] {strides = array<i32>} : memref<2x128x128xf32, #tpu.memory_space<vmem>>, vector<16xf32>,
        tpu.vector_store %arg13[%parallel_loop3A_435, %parallel_loop3A_436, %parallel_loop3A_437], %parallel_loop3A_433 {strides = array<i32>} : memref<2x128x128xf32, #tpu.memory_space<vmem>>, vector<16xf32>,
        %parallel_loop3A_439 = arith.constant 1 : i32
        %parallel_loop3A_440 = arith.index_cast %parallel_loop3A_439 : i32 to index
        %parallel_loop3A_441 = arith.index_cast %parallel_loop3A_396 : i32 to index
        %parallel_loop3A_442 = arith.constant 32 : index
        %parallel_loop3A_443 = tpu.vector_load %arg11[%parallel_loop3A_440, %parallel_loop3A_441, %parallel_loop3A_442] {strides = array<i32>} : memref<2x128x128xf32, #tpu.memory_space<vmem>>, vector<16xf32>,
        %parallel_loop3A_444 = arith.mulf %parallel_loop3A_401, %parallel_loop3A_443 : vector<16xf32>
        %parallel_loop3A_445 = arith.constant 1 : i32
        %parallel_loop3A_446 = arith.index_cast %parallel_loop3A_445 : i32 to index
        %parallel_loop3A_447 = arith.index_cast %parallel_loop3A_396 : i32 to index
        %parallel_loop3A_448 = arith.constant 32 : index
        %parallel_loop3A_449 = tpu.vector_load %arg12[%parallel_loop3A_446, %parallel_loop3A_447, %parallel_loop3A_448] {strides = array<i32>} : memref<2x128x128xf32, #tpu.memory_space<vmem>>, vector<16xf32>,
        %parallel_loop3A_450 = arith.mulf %parallel_loop3A_402, %parallel_loop3A_449 : vector<16xf32>
        %parallel_loop3A_451 = arith.addf %parallel_loop3A_444, %parallel_loop3A_450 : vector<16xf32>
        %parallel_loop3A_452 = arith.constant 1 : i32
        %parallel_loop3A_453 = arith.index_cast %parallel_loop3A_452 : i32 to index
        %parallel_loop3A_454 = arith.index_cast %parallel_loop3A_396 : i32 to index
        %parallel_loop3A_455 = arith.constant 32 : index
        %parallel_loop3A_456 = tpu.vector_load %arg13[%parallel_loop3A_453, %parallel_loop3A_454, %parallel_loop3A_455] {strides = array<i32>} : memref<2x128x128xf32, #tpu.memory_space<vmem>>, vector<16xf32>,
        tpu.vector_store %arg13[%parallel_loop3A_453, %parallel_loop3A_454, %parallel_loop3A_455], %parallel_loop3A_451 {strides = array<i32>} : memref<2x128x128xf32, #tpu.memory_space<vmem>>, vector<16xf32>,
        %parallel_loop3A_457 = arith.constant 1 : i32
        %parallel_loop3A_458 = arith.index_cast %parallel_loop3A_457 : i32 to index
        %parallel_loop3A_459 = arith.index_cast %parallel_loop3A_396 : i32 to index
        %parallel_loop3A_460 = arith.constant 48 : index
        %parallel_loop3A_461 = tpu.vector_load %arg11[%parallel_loop3A_458, %parallel_loop3A_459, %parallel_loop3A_460] {strides = array<i32>} : memref<2x128x128xf32, #tpu.memory_space<vmem>>, vector<16xf32>,
        %parallel_loop3A_462 = arith.mulf %parallel_loop3A_401, %parallel_loop3A_461 : vector<16xf32>
        %parallel_loop3A_463 = arith.constant 1 : i32
        %parallel_loop3A_464 = arith.index_cast %parallel_loop3A_463 : i32 to index
        %parallel_loop3A_465 = arith.index_cast %parallel_loop3A_396 : i32 to index
        %parallel_loop3A_466 = arith.constant 48 : index
        %parallel_loop3A_467 = tpu.vector_load %arg12[%parallel_loop3A_464, %parallel_loop3A_465, %parallel_loop3A_466] {strides = array<i32>} : memref<2x128x128xf32, #tpu.memory_space<vmem>>, vector<16xf32>,
        %parallel_loop3A_468 = arith.mulf %parallel_loop3A_402, %parallel_loop3A_467 : vector<16xf32>
        %parallel_loop3A_469 = arith.addf %parallel_loop3A_462, %parallel_loop3A_468 : vector<16xf32>
        %parallel_loop3A_470 = arith.constant 1 : i32
        %parallel_loop3A_471 = arith.index_cast %parallel_loop3A_470 : i32 to index
        %parallel_loop3A_472 = arith.index_cast %parallel_loop3A_396 : i32 to index
        %parallel_loop3A_473 = arith.constant 48 : index
        %parallel_loop3A_474 = tpu.vector_load %arg13[%parallel_loop3A_471, %parallel_loop3A_472, %parallel_loop3A_473] {strides = array<i32>} : memref<2x128x128xf32, #tpu.memory_space<vmem>>, vector<16xf32>,
        tpu.vector_store %arg13[%parallel_loop3A_471, %parallel_loop3A_472, %parallel_loop3A_473], %parallel_loop3A_469 {strides = array<i32>} : memref<2x128x128xf32, #tpu.memory_space<vmem>>, vector<16xf32>,
        %parallel_loop3A_475 = arith.constant 1 : i32
        %parallel_loop3A_476 = arith.index_cast %parallel_loop3A_475 : i32 to index
        %parallel_loop3A_477 = arith.index_cast %parallel_loop3A_396 : i32 to index
        %parallel_loop3A_478 = arith.constant 64 : index
        %parallel_loop3A_479 = tpu.vector_load %arg11[%parallel_loop3A_476, %parallel_loop3A_477, %parallel_loop3A_478] {strides = array<i32>} : memref<2x128x128xf32, #tpu.memory_space<vmem>>, vector<16xf32>,
        %parallel_loop3A_480 = arith.mulf %parallel_loop3A_401, %parallel_loop3A_479 : vector<16xf32>
        %parallel_loop3A_481 = arith.constant 1 : i32
        %parallel_loop3A_482 = arith.index_cast %parallel_loop3A_481 : i32 to index
        %parallel_loop3A_483 = arith.index_cast %parallel_loop3A_396 : i32 to index
        %parallel_loop3A_484 = arith.constant 64 : index
        %parallel_loop3A_485 = tpu.vector_load %arg12[%parallel_loop3A_482, %parallel_loop3A_483, %parallel_loop3A_484] {strides = array<i32>} : memref<2x128x128xf32, #tpu.memory_space<vmem>>, vector<16xf32>,
        %parallel_loop3A_486 = arith.mulf %parallel_loop3A_402, %parallel_loop3A_485 : vector<16xf32>
        %parallel_loop3A_487 = arith.addf %parallel_loop3A_480, %parallel_loop3A_486 : vector<16xf32>
        %parallel_loop3A_488 = arith.constant 1 : i32
        %parallel_loop3A_489 = arith.index_cast %parallel_loop3A_488 : i32 to index
        %parallel_loop3A_490 = arith.index_cast %parallel_loop3A_396 : i32 to index
        %parallel_loop3A_491 = arith.constant 64 : index
        %parallel_loop3A_492 = tpu.vector_load %arg13[%parallel_loop3A_489, %parallel_loop3A_490, %parallel_loop3A_491] {strides = array<i32>} : memref<2x128x128xf32, #tpu.memory_space<vmem>>, vector<16xf32>,
        tpu.vector_store %arg13[%parallel_loop3A_489, %parallel_loop3A_490, %parallel_loop3A_491], %parallel_loop3A_487 {strides = array<i32>} : memref<2x128x128xf32, #tpu.memory_space<vmem>>, vector<16xf32>,
        %parallel_loop3A_493 = arith.constant 1 : i32
        %parallel_loop3A_494 = arith.index_cast %parallel_loop3A_493 : i32 to index
        %parallel_loop3A_495 = arith.index_cast %parallel_loop3A_396 : i32 to index
        %parallel_loop3A_496 = arith.constant 80 : index
        %parallel_loop3A_497 = tpu.vector_load %arg11[%parallel_loop3A_494, %parallel_loop3A_495, %parallel_loop3A_496] {strides = array<i32>} : memref<2x128x128xf32, #tpu.memory_space<vmem>>, vector<16xf32>,
        %parallel_loop3A_498 = arith.mulf %parallel_loop3A_401, %parallel_loop3A_497 : vector<16xf32>
        %parallel_loop3A_499 = arith.constant 1 : i32
        %parallel_loop3A_500 = arith.index_cast %parallel_loop3A_499 : i32 to index
        %parallel_loop3A_501 = arith.index_cast %parallel_loop3A_396 : i32 to index
        %parallel_loop3A_502 = arith.constant 80 : index
        %parallel_loop3A_503 = tpu.vector_load %arg12[%parallel_loop3A_500, %parallel_loop3A_501, %parallel_loop3A_502] {strides = array<i32>} : memref<2x128x128xf32, #tpu.memory_space<vmem>>, vector<16xf32>,
        %parallel_loop3A_504 = arith.mulf %parallel_loop3A_402, %parallel_loop3A_503 : vector<16xf32>
        %parallel_loop3A_505 = arith.addf %parallel_loop3A_498, %parallel_loop3A_504 : vector<16xf32>
        %parallel_loop3A_506 = arith.constant 1 : i32
        %parallel_loop3A_507 = arith.index_cast %parallel_loop3A_506 : i32 to index
        %parallel_loop3A_508 = arith.index_cast %parallel_loop3A_396 : i32 to index
        %parallel_loop3A_509 = arith.constant 80 : index
        %parallel_loop3A_510 = tpu.vector_load %arg13[%parallel_loop3A_507, %parallel_loop3A_508, %parallel_loop3A_509] {strides = array<i32>} : memref<2x128x128xf32, #tpu.memory_space<vmem>>, vector<16xf32>,
        tpu.vector_store %arg13[%parallel_loop3A_507, %parallel_loop3A_508, %parallel_loop3A_509], %parallel_loop3A_505 {strides = array<i32>} : memref<2x128x128xf32, #tpu.memory_space<vmem>>, vector<16xf32>,
        %parallel_loop3A_511 = arith.constant 1 : i32
        %parallel_loop3A_512 = arith.index_cast %parallel_loop3A_511 : i32 to index
        %parallel_loop3A_513 = arith.index_cast %parallel_loop3A_396 : i32 to index
        %parallel_loop3A_514 = arith.constant 96 : index
        %parallel_loop3A_515 = tpu.vector_load %arg11[%parallel_loop3A_512, %parallel_loop3A_513, %parallel_loop3A_514] {strides = array<i32>} : memref<2x128x128xf32, #tpu.memory_space<vmem>>, vector<16xf32>,
        %parallel_loop3A_516 = arith.mulf %parallel_loop3A_401, %parallel_loop3A_515 : vector<16xf32>
        %parallel_loop3A_517 = arith.constant 1 : i32
        %parallel_loop3A_518 = arith.index_cast %parallel_loop3A_517 : i32 to index
        %parallel_loop3A_519 = arith.index_cast %parallel_loop3A_396 : i32 to index
        %parallel_loop3A_520 = arith.constant 96 : index
        %parallel_loop3A_521 = tpu.vector_load %arg12[%parallel_loop3A_518, %parallel_loop3A_519, %parallel_loop3A_520] {strides = array<i32>} : memref<2x128x128xf32, #tpu.memory_space<vmem>>, vector<16xf32>,
        %parallel_loop3A_522 = arith.mulf %parallel_loop3A_402, %parallel_loop3A_521 : vector<16xf32>
        %parallel_loop3A_523 = arith.addf %parallel_loop3A_516, %parallel_loop3A_522 : vector<16xf32>
        %parallel_loop3A_524 = arith.constant 1 : i32
        %parallel_loop3A_525 = arith.index_cast %parallel_loop3A_524 : i32 to index
        %parallel_loop3A_526 = arith.index_cast %parallel_loop3A_396 : i32 to index
        %parallel_loop3A_527 = arith.constant 96 : index
        %parallel_loop3A_528 = tpu.vector_load %arg13[%parallel_loop3A_525, %parallel_loop3A_526, %parallel_loop3A_527] {strides = array<i32>} : memref<2x128x128xf32, #tpu.memory_space<vmem>>, vector<16xf32>,
        tpu.vector_store %arg13[%parallel_loop3A_525, %parallel_loop3A_526, %parallel_loop3A_527], %parallel_loop3A_523 {strides = array<i32>} : memref<2x128x128xf32, #tpu.memory_space<vmem>>, vector<16xf32>,
        %parallel_loop3A_529 = arith.constant 1 : i32
        %parallel_loop3A_530 = arith.index_cast %parallel_loop3A_529 : i32 to index
        %parallel_loop3A_531 = arith.index_cast %parallel_loop3A_396 : i32 to index
        %parallel_loop3A_532 = arith.constant 112 : index
        %parallel_loop3A_533 = tpu.vector_load %arg11[%parallel_loop3A_530, %parallel_loop3A_531, %parallel_loop3A_532] {strides = array<i32>} : memref<2x128x128xf32, #tpu.memory_space<vmem>>, vector<16xf32>,
        %parallel_loop3A_534 = arith.mulf %parallel_loop3A_401, %parallel_loop3A_533 : vector<16xf32>
        %parallel_loop3A_535 = arith.constant 1 : i32
        %parallel_loop3A_536 = arith.index_cast %parallel_loop3A_535 : i32 to index
        %parallel_loop3A_537 = arith.index_cast %parallel_loop3A_396 : i32 to index
        %parallel_loop3A_538 = arith.constant 112 : index
        %parallel_loop3A_539 = tpu.vector_load %arg12[%parallel_loop3A_536, %parallel_loop3A_537, %parallel_loop3A_538] {strides = array<i32>} : memref<2x128x128xf32, #tpu.memory_space<vmem>>, vector<16xf32>,
        %parallel_loop3A_540 = arith.mulf %parallel_loop3A_402, %parallel_loop3A_539 : vector<16xf32>
        %parallel_loop3A_541 = arith.addf %parallel_loop3A_534, %parallel_loop3A_540 : vector<16xf32>
        %parallel_loop3A_542 = arith.constant 1 : i32
        %parallel_loop3A_543 = arith.index_cast %parallel_loop3A_542 : i32 to index
        %parallel_loop3A_544 = arith.index_cast %parallel_loop3A_396 : i32 to index
        %parallel_loop3A_545 = arith.constant 112 : index
        %parallel_loop3A_546 = tpu.vector_load %arg13[%parallel_loop3A_543, %parallel_loop3A_544, %parallel_loop3A_545] {strides = array<i32>} : memref<2x128x128xf32, #tpu.memory_space<vmem>>, vector<16xf32>,
        tpu.vector_store %arg13[%parallel_loop3A_543, %parallel_loop3A_544, %parallel_loop3A_545], %parallel_loop3A_541 {strides = array<i32>} : memref<2x128x128xf32, #tpu.memory_space<vmem>>, vector<16xf32>,
      } {sc.loop_unroll_factor = 2 : i64, sc.parallel_access}
      %mul3A_374 = arith.constant 128 : i32
      %mul3A_375 = arith.muli %add3A_339, %mul3A_374 : i32
      %add3A_376 = arith.addi %mul3A_2, %mul3A_375 : i32
      %dma_start3A_377 = arith.constant 1 : i32
      %dma_start3A_378 = arith.constant 0 : i32
      %dma_start3A_379 = arith.constant 0 : i32
      %dma_start3A_380 = tpu.memref_slice %arg13[%dma_start3A_377, %dma_start3A_378, %dma_start3A_379] : memref<2x128x128xf32, #tpu.memory_space<vmem>> -> memref<1x128x128xf32, #tpu.memory_space<vmem>>
      %dma_start3A_381 = tpu.memref_squeeze %dma_start3A_380 : memref<1x128x128xf32, #tpu.memory_space<vmem>> -> memref<128x128xf32, #tpu.memory_space<vmem>>
      %dma_start3A_382 = arith.constant 0 : i32
      %dma_start3A_383 = tpu.memref_slice %arg6[%add3A_376, %dma_start3A_382] : memref<16384x128xf32, #tpu.memory_space<hbm>> -> memref<128x128xf32, #tpu.memory_space<hbm>>
      %dma_start3A_384 = arith.constant 0 : i32
      %dma_start3A_385 = tpu.memref_slice %arg6[%add3A_376, %dma_start3A_384] : memref<16384x128xf32, #tpu.memory_space<hbm>> -> memref<128x128xf32, #tpu.memory_space<hbm>>
      %dma_start3A_386 = arith.constant 0 : i32
      %dma_start3A_387 = arith.constant 0 : i32
      %dma_start3A_388 = tpu.memref_slice %arg13[%dma_start3A_377, %dma_start3A_386, %dma_start3A_387] : memref<2x128x128xf32, #tpu.memory_space<vmem>> -> memref<1x128x128xf32, #tpu.memory_space<vmem>>
      %dma_start3A_389 = tpu.memref_squeeze %dma_start3A_388 : memref<1x128x128xf32, #tpu.memory_space<vmem>> -> memref<128x128xf32, #tpu.memory_space<vmem>>
      tpu.enqueue_dma source(%dma_start3A_389 : memref<128x128xf32, #tpu.memory_space<vmem>>) target(%dma_start3A_385 : memref<128x128xf32, #tpu.memory_space<hbm>>) target_semaphore(%arg17 : memref<!tpu.dma_semaphore, #tpu.memory_space<semaphore_mem>>)
      %lt3A_390 = arith.constant 1 : i32
      %lt3A_391 = arith.cmpi slt, %scan3A_279, %lt3A_390 : i32
      %convert_element_type3A_392 = arith.extui %lt3A_391 : i1 to i32
      %cond3A_393 = arith.constant 0 : i32
      %cond3A_394 = arith.cmpi ne, %convert_element_type3A_392, %cond3A_393 : i32
      scf.if %cond3A_394 {
        %add3A_396 = arith.constant 2 : i32
        %add3A_397 = arith.addi %add3A_339, %add3A_396 : i32
        %mul3A_398 = arith.constant 128 : i32
        %mul3A_399 = arith.muli %add3A_397, %mul3A_398 : i32
        %add3A_400 = arith.addi %mul3A_2, %mul3A_399 : i32
        %add3A_401 = arith.constant 0 : i32
        %add3A_402 = arith.addi %add3A_400, %add3A_401 : i32
        %dma_start3A_403 = arith.constant 1 : i32
        %dma_start3A_404 = arith.constant 0 : i32
        %dma_start3A_405 = arith.constant 0 : i32
        %dma_start3A_406 = tpu.memref_slice %arg11[%dma_start3A_403, %dma_start3A_404, %dma_start3A_405] : memref<2x128x128xf32, #tpu.memory_space<vmem>> -> memref<1x32x128xf32, #tpu.memory_space<vmem>>
        %dma_start3A_407 = tpu.memref_squeeze %dma_start3A_406 : memref<1x32x128xf32, #tpu.memory_space<vmem>> -> memref<32x128xf32, #tpu.memory_space<vmem>>
        %dma_start3A_408 = arith.constant 0 : i32
        %dma_start3A_409 = tpu.memref_slice %arg4[%add3A_402, %dma_start3A_408] : memref<16384x128xf32, #tpu.memory_space<hbm>> -> memref<32x128xf32, #tpu.memory_space<hbm>>
        %dma_start3A_410 = arith.constant 0 : i32
        %dma_start3A_411 = arith.constant 0 : i32
        %dma_start3A_412 = tpu.memref_slice %arg11[%dma_start3A_403, %dma_start3A_410, %dma_start3A_411] : memref<2x128x128xf32, #tpu.memory_space<vmem>> -> memref<1x32x128xf32, #tpu.memory_space<vmem>>
        %dma_start3A_413 = tpu.memref_squeeze %dma_start3A_412 : memref<1x32x128xf32, #tpu.memory_space<vmem>> -> memref<32x128xf32, #tpu.memory_space<vmem>>
        %dma_start3A_414 = arith.constant 0 : i32
        %dma_start3A_415 = tpu.memref_slice %arg4[%add3A_402, %dma_start3A_414] : memref<16384x128xf32, #tpu.memory_space<hbm>> -> memref<32x128xf32, #tpu.memory_space<hbm>>
        tpu.enqueue_dma source(%dma_start3A_415 : memref<32x128xf32, #tpu.memory_space<hbm>>) target(%dma_start3A_413 : memref<32x128xf32, #tpu.memory_space<vmem>>) target_semaphore(%arg15 : memref<!tpu.dma_semaphore, #tpu.memory_space<semaphore_mem>>)
        %add3A_416 = arith.constant 0 : i32
        %add3A_417 = arith.addi %add3A_400, %add3A_416 : i32
        %dma_start3A_418 = arith.constant 1 : i32
        %dma_start3A_419 = arith.constant 0 : i32
        %dma_start3A_420 = arith.constant 0 : i32
        %dma_start3A_421 = tpu.memref_slice %arg12[%dma_start3A_418, %dma_start3A_419, %dma_start3A_420] : memref<2x128x128xf32, #tpu.memory_space<vmem>> -> memref<1x32x128xf32, #tpu.memory_space<vmem>>
        %dma_start3A_422 = tpu.memref_squeeze %dma_start3A_421 : memref<1x32x128xf32, #tpu.memory_space<vmem>> -> memref<32x128xf32, #tpu.memory_space<vmem>>
        %dma_start3A_423 = arith.constant 0 : i32
        %dma_start3A_424 = tpu.memref_slice %arg5[%add3A_417, %dma_start3A_423] : memref<16384x128xf32, #tpu.memory_space<hbm>> -> memref<32x128xf32, #tpu.memory_space<hbm>>
        %dma_start3A_425 = arith.constant 0 : i32
        %dma_start3A_426 = arith.constant 0 : i32
        %dma_start3A_427 = tpu.memref_slice %arg12[%dma_start3A_418, %dma_start3A_425, %dma_start3A_426] : memref<2x128x128xf32, #tpu.memory_space<vmem>> -> memref<1x32x128xf32, #tpu.memory_space<vmem>>
        %dma_start3A_428 = tpu.memref_squeeze %dma_start3A_427 : memref<1x32x128xf32, #tpu.memory_space<vmem>> -> memref<32x128xf32, #tpu.memory_space<vmem>>
        %dma_start3A_429 = arith.constant 0 : i32
        %dma_start3A_430 = tpu.memref_slice %arg5[%add3A_417, %dma_start3A_429] : memref<16384x128xf32, #tpu.memory_space<hbm>> -> memref<32x128xf32, #tpu.memory_space<hbm>>
        tpu.enqueue_dma source(%dma_start3A_430 : memref<32x128xf32, #tpu.memory_space<hbm>>) target(%dma_start3A_428 : memref<32x128xf32, #tpu.memory_space<vmem>>) target_semaphore(%arg15 : memref<!tpu.dma_semaphore, #tpu.memory_space<semaphore_mem>>)
        %add3A_431 = arith.constant 32 : i32
        %add3A_432 = arith.addi %add3A_400, %add3A_431 : i32
        %dma_start3A_433 = arith.constant 1 : i32
        %dma_start3A_434 = arith.constant 32 : i32
        %dma_start3A_435 = arith.constant 0 : i32
        %dma_start3A_436 = tpu.memref_slice %arg11[%dma_start3A_433, %dma_start3A_434, %dma_start3A_435] : memref<2x128x128xf32, #tpu.memory_space<vmem>> -> memref<1x32x128xf32, #tpu.memory_space<vmem>>
        %dma_start3A_437 = tpu.memref_squeeze %dma_start3A_436 : memref<1x32x128xf32, #tpu.memory_space<vmem>> -> memref<32x128xf32, #tpu.memory_space<vmem>>
        %dma_start3A_438 = arith.constant 0 : i32
        %dma_start3A_439 = tpu.memref_slice %arg4[%add3A_432, %dma_start3A_438] : memref<16384x128xf32, #tpu.memory_space<hbm>> -> memref<32x128xf32, #tpu.memory_space<hbm>>
        %dma_start3A_440 = arith.constant 32 : i32
        %dma_start3A_441 = arith.constant 0 : i32
        %dma_start3A_442 = tpu.memref_slice %arg11[%dma_start3A_433, %dma_start3A_440, %dma_start3A_441] : memref<2x128x128xf32, #tpu.memory_space<vmem>> -> memref<1x32x128xf32, #tpu.memory_space<vmem>>
        %dma_start3A_443 = tpu.memref_squeeze %dma_start3A_442 : memref<1x32x128xf32, #tpu.memory_space<vmem>> -> memref<32x128xf32, #tpu.memory_space<vmem>>
        %dma_start3A_444 = arith.constant 0 : i32
        %dma_start3A_445 = tpu.memref_slice %arg4[%add3A_432, %dma_start3A_444] : memref<16384x128xf32, #tpu.memory_space<hbm>> -> memref<32x128xf32, #tpu.memory_space<hbm>>
        tpu.enqueue_dma source(%dma_start3A_445 : memref<32x128xf32, #tpu.memory_space<hbm>>) target(%dma_start3A_443 : memref<32x128xf32, #tpu.memory_space<vmem>>) target_semaphore(%arg15 : memref<!tpu.dma_semaphore, #tpu.memory_space<semaphore_mem>>)
        %add3A_446 = arith.constant 32 : i32
        %add3A_447 = arith.addi %add3A_400, %add3A_446 : i32
        %dma_start3A_448 = arith.constant 1 : i32
        %dma_start3A_449 = arith.constant 32 : i32
        %dma_start3A_450 = arith.constant 0 : i32
        %dma_start3A_451 = tpu.memref_slice %arg12[%dma_start3A_448, %dma_start3A_449, %dma_start3A_450] : memref<2x128x128xf32, #tpu.memory_space<vmem>> -> memref<1x32x128xf32, #tpu.memory_space<vmem>>
        %dma_start3A_452 = tpu.memref_squeeze %dma_start3A_451 : memref<1x32x128xf32, #tpu.memory_space<vmem>> -> memref<32x128xf32, #tpu.memory_space<vmem>>
        %dma_start3A_453 = arith.constant 0 : i32
        %dma_start3A_454 = tpu.memref_slice %arg5[%add3A_447, %dma_start3A_453] : memref<16384x128xf32, #tpu.memory_space<hbm>> -> memref<32x128xf32, #tpu.memory_space<hbm>>
        %dma_start3A_455 = arith.constant 32 : i32
        %dma_start3A_456 = arith.constant 0 : i32
        %dma_start3A_457 = tpu.memref_slice %arg12[%dma_start3A_448, %dma_start3A_455, %dma_start3A_456] : memref<2x128x128xf32, #tpu.memory_space<vmem>> -> memref<1x32x128xf32, #tpu.memory_space<vmem>>
        %dma_start3A_458 = tpu.memref_squeeze %dma_start3A_457 : memref<1x32x128xf32, #tpu.memory_space<vmem>> -> memref<32x128xf32, #tpu.memory_space<vmem>>
        %dma_start3A_459 = arith.constant 0 : i32
        %dma_start3A_460 = tpu.memref_slice %arg5[%add3A_447, %dma_start3A_459] : memref<16384x128xf32, #tpu.memory_space<hbm>> -> memref<32x128xf32, #tpu.memory_space<hbm>>
        tpu.enqueue_dma source(%dma_start3A_460 : memref<32x128xf32, #tpu.memory_space<hbm>>) target(%dma_start3A_458 : memref<32x128xf32, #tpu.memory_space<vmem>>) target_semaphore(%arg15 : memref<!tpu.dma_semaphore, #tpu.memory_space<semaphore_mem>>)
        %add3A_461 = arith.constant 64 : i32
        %add3A_462 = arith.addi %add3A_400, %add3A_461 : i32
        %dma_start3A_463 = arith.constant 1 : i32
        %dma_start3A_464 = arith.constant 64 : i32
        %dma_start3A_465 = arith.constant 0 : i32
        %dma_start3A_466 = tpu.memref_slice %arg11[%dma_start3A_463, %dma_start3A_464, %dma_start3A_465] : memref<2x128x128xf32, #tpu.memory_space<vmem>> -> memref<1x32x128xf32, #tpu.memory_space<vmem>>
        %dma_start3A_467 = tpu.memref_squeeze %dma_start3A_466 : memref<1x32x128xf32, #tpu.memory_space<vmem>> -> memref<32x128xf32, #tpu.memory_space<vmem>>
        %dma_start3A_468 = arith.constant 0 : i32
        %dma_start3A_469 = tpu.memref_slice %arg4[%add3A_462, %dma_start3A_468] : memref<16384x128xf32, #tpu.memory_space<hbm>> -> memref<32x128xf32, #tpu.memory_space<hbm>>
        %dma_start3A_470 = arith.constant 64 : i32
        %dma_start3A_471 = arith.constant 0 : i32
        %dma_start3A_472 = tpu.memref_slice %arg11[%dma_start3A_463, %dma_start3A_470, %dma_start3A_471] : memref<2x128x128xf32, #tpu.memory_space<vmem>> -> memref<1x32x128xf32, #tpu.memory_space<vmem>>
        %dma_start3A_473 = tpu.memref_squeeze %dma_start3A_472 : memref<1x32x128xf32, #tpu.memory_space<vmem>> -> memref<32x128xf32, #tpu.memory_space<vmem>>
        %dma_start3A_474 = arith.constant 0 : i32
        %dma_start3A_475 = tpu.memref_slice %arg4[%add3A_462, %dma_start3A_474] : memref<16384x128xf32, #tpu.memory_space<hbm>> -> memref<32x128xf32, #tpu.memory_space<hbm>>
        tpu.enqueue_dma source(%dma_start3A_475 : memref<32x128xf32, #tpu.memory_space<hbm>>) target(%dma_start3A_473 : memref<32x128xf32, #tpu.memory_space<vmem>>) target_semaphore(%arg15 : memref<!tpu.dma_semaphore, #tpu.memory_space<semaphore_mem>>)
        %add3A_476 = arith.constant 64 : i32
        %add3A_477 = arith.addi %add3A_400, %add3A_476 : i32
        %dma_start3A_478 = arith.constant 1 : i32
        %dma_start3A_479 = arith.constant 64 : i32
        %dma_start3A_480 = arith.constant 0 : i32
        %dma_start3A_481 = tpu.memref_slice %arg12[%dma_start3A_478, %dma_start3A_479, %dma_start3A_480] : memref<2x128x128xf32, #tpu.memory_space<vmem>> -> memref<1x32x128xf32, #tpu.memory_space<vmem>>
        %dma_start3A_482 = tpu.memref_squeeze %dma_start3A_481 : memref<1x32x128xf32, #tpu.memory_space<vmem>> -> memref<32x128xf32, #tpu.memory_space<vmem>>
        %dma_start3A_483 = arith.constant 0 : i32
        %dma_start3A_484 = tpu.memref_slice %arg5[%add3A_477, %dma_start3A_483] : memref<16384x128xf32, #tpu.memory_space<hbm>> -> memref<32x128xf32, #tpu.memory_space<hbm>>
        %dma_start3A_485 = arith.constant 64 : i32
        %dma_start3A_486 = arith.constant 0 : i32
        %dma_start3A_487 = tpu.memref_slice %arg12[%dma_start3A_478, %dma_start3A_485, %dma_start3A_486] : memref<2x128x128xf32, #tpu.memory_space<vmem>> -> memref<1x32x128xf32, #tpu.memory_space<vmem>>
        %dma_start3A_488 = tpu.memref_squeeze %dma_start3A_487 : memref<1x32x128xf32, #tpu.memory_space<vmem>> -> memref<32x128xf32, #tpu.memory_space<vmem>>
        %dma_start3A_489 = arith.constant 0 : i32
        %dma_start3A_490 = tpu.memref_slice %arg5[%add3A_477, %dma_start3A_489] : memref<16384x128xf32, #tpu.memory_space<hbm>> -> memref<32x128xf32, #tpu.memory_space<hbm>>
        tpu.enqueue_dma source(%dma_start3A_490 : memref<32x128xf32, #tpu.memory_space<hbm>>) target(%dma_start3A_488 : memref<32x128xf32, #tpu.memory_space<vmem>>) target_semaphore(%arg15 : memref<!tpu.dma_semaphore, #tpu.memory_space<semaphore_mem>>)
        %add3A_491 = arith.constant 96 : i32
        %add3A_492 = arith.addi %add3A_400, %add3A_491 : i32
        %dma_start3A_493 = arith.constant 1 : i32
        %dma_start3A_494 = arith.constant 96 : i32
        %dma_start3A_495 = arith.constant 0 : i32
        %dma_start3A_496 = tpu.memref_slice %arg11[%dma_start3A_493, %dma_start3A_494, %dma_start3A_495] : memref<2x128x128xf32, #tpu.memory_space<vmem>> -> memref<1x32x128xf32, #tpu.memory_space<vmem>>
        %dma_start3A_497 = tpu.memref_squeeze %dma_start3A_496 : memref<1x32x128xf32, #tpu.memory_space<vmem>> -> memref<32x128xf32, #tpu.memory_space<vmem>>
        %dma_start3A_498 = arith.constant 0 : i32
        %dma_start3A_499 = tpu.memref_slice %arg4[%add3A_492, %dma_start3A_498] : memref<16384x128xf32, #tpu.memory_space<hbm>> -> memref<32x128xf32, #tpu.memory_space<hbm>>
        %dma_start3A_500 = arith.constant 96 : i32
        %dma_start3A_501 = arith.constant 0 : i32
        %dma_start3A_502 = tpu.memref_slice %arg11[%dma_start3A_493, %dma_start3A_500, %dma_start3A_501] : memref<2x128x128xf32, #tpu.memory_space<vmem>> -> memref<1x32x128xf32, #tpu.memory_space<vmem>>
        %dma_start3A_503 = tpu.memref_squeeze %dma_start3A_502 : memref<1x32x128xf32, #tpu.memory_space<vmem>> -> memref<32x128xf32, #tpu.memory_space<vmem>>
        %dma_start3A_504 = arith.constant 0 : i32
        %dma_start3A_505 = tpu.memref_slice %arg4[%add3A_492, %dma_start3A_504] : memref<16384x128xf32, #tpu.memory_space<hbm>> -> memref<32x128xf32, #tpu.memory_space<hbm>>
        tpu.enqueue_dma source(%dma_start3A_505 : memref<32x128xf32, #tpu.memory_space<hbm>>) target(%dma_start3A_503 : memref<32x128xf32, #tpu.memory_space<vmem>>) target_semaphore(%arg15 : memref<!tpu.dma_semaphore, #tpu.memory_space<semaphore_mem>>)
        %add3A_506 = arith.constant 96 : i32
        %add3A_507 = arith.addi %add3A_400, %add3A_506 : i32
        %dma_start3A_508 = arith.constant 1 : i32
        %dma_start3A_509 = arith.constant 96 : i32
        %dma_start3A_510 = arith.constant 0 : i32
        %dma_start3A_511 = tpu.memref_slice %arg12[%dma_start3A_508, %dma_start3A_509, %dma_start3A_510] : memref<2x128x128xf32, #tpu.memory_space<vmem>> -> memref<1x32x128xf32, #tpu.memory_space<vmem>>
        %dma_start3A_512 = tpu.memref_squeeze %dma_start3A_511 : memref<1x32x128xf32, #tpu.memory_space<vmem>> -> memref<32x128xf32, #tpu.memory_space<vmem>>
        %dma_start3A_513 = arith.constant 0 : i32
        %dma_start3A_514 = tpu.memref_slice %arg5[%add3A_507, %dma_start3A_513] : memref<16384x128xf32, #tpu.memory_space<hbm>> -> memref<32x128xf32, #tpu.memory_space<hbm>>
        %dma_start3A_515 = arith.constant 96 : i32
        %dma_start3A_516 = arith.constant 0 : i32
        %dma_start3A_517 = tpu.memref_slice %arg12[%dma_start3A_508, %dma_start3A_515, %dma_start3A_516] : memref<2x128x128xf32, #tpu.memory_space<vmem>> -> memref<1x32x128xf32, #tpu.memory_space<vmem>>
        %dma_start3A_518 = tpu.memref_squeeze %dma_start3A_517 : memref<1x32x128xf32, #tpu.memory_space<vmem>> -> memref<32x128xf32, #tpu.memory_space<vmem>>
        %dma_start3A_519 = arith.constant 0 : i32
        %dma_start3A_520 = tpu.memref_slice %arg5[%add3A_507, %dma_start3A_519] : memref<16384x128xf32, #tpu.memory_space<hbm>> -> memref<32x128xf32, #tpu.memory_space<hbm>>
        tpu.enqueue_dma source(%dma_start3A_520 : memref<32x128xf32, #tpu.memory_space<hbm>>) target(%dma_start3A_518 : memref<32x128xf32, #tpu.memory_space<vmem>>) target_semaphore(%arg15 : memref<!tpu.dma_semaphore, #tpu.memory_space<semaphore_mem>>)
      } else {
      }
      %scan3A_395 = arith.constant 0 : i32
      scf.yield %scan3A_395 : i32
    }
    %scan3A_253 = arith.constant 2 : i32
    %dma_wait3A = arith.constant 0 : i32
    %dma_wait3A_254 = arith.constant 0 : i32
    %dma_wait3A_255 = arith.constant 0 : i32
    %dma_wait3A_256 = tpu.memref_slice %arg13[%dma_wait3A, %dma_wait3A_254, %dma_wait3A_255] : memref<2x128x128xf32, #tpu.memory_space<vmem>> -> memref<1x128x128xf32, #tpu.memory_space<vmem>>
    %dma_wait3A_257 = tpu.memref_squeeze %dma_wait3A_256 : memref<1x128x128xf32, #tpu.memory_space<vmem>> -> memref<128x128xf32, #tpu.memory_space<vmem>>
    %dma_wait3A_258 = arith.constant 0 : i32
    %dma_wait3A_259 = tpu.memref_slice %arg6[%mul3A_2, %dma_wait3A_258] : memref<16384x128xf32, #tpu.memory_space<hbm>> -> memref<128x128xf32, #tpu.memory_space<hbm>>
    %dma_wait3A_260 = arith.constant 0 : i32
    %dma_wait3A_261 = tpu.memref_slice %arg6[%mul3A_2, %dma_wait3A_260] : memref<16384x128xf32, #tpu.memory_space<hbm>> -> memref<128x128xf32, #tpu.memory_space<hbm>>
    %dma_wait3A_262 = arith.constant 0 : i32
    %dma_wait3A_263 = arith.constant 0 : i32
    %dma_wait3A_264 = tpu.memref_slice %arg13[%dma_wait3A, %dma_wait3A_262, %dma_wait3A_263] : memref<2x128x128xf32, #tpu.memory_space<vmem>> -> memref<1x128x128xf32, #tpu.memory_space<vmem>>
    %dma_wait3A_265 = tpu.memref_squeeze %dma_wait3A_264 : memref<1x128x128xf32, #tpu.memory_space<vmem>> -> memref<128x128xf32, #tpu.memory_space<vmem>>
    tpu.wait_dma2 semaphore(%arg16 : memref<!tpu.dma_semaphore, #tpu.memory_space<semaphore_mem>>) src(%dma_wait3A_265 : memref<128x128xf32, #tpu.memory_space<vmem>>) dst(%dma_wait3A_261 : memref<128x128xf32, #tpu.memory_space<hbm>>)
    %dma_wait3A_266 = arith.constant 1 : i32
    %dma_wait3A_267 = arith.constant 0 : i32
    %dma_wait3A_268 = arith.constant 0 : i32
    %dma_wait3A_269 = tpu.memref_slice %arg13[%dma_wait3A_266, %dma_wait3A_267, %dma_wait3A_268] : memref<2x128x128xf32, #tpu.memory_space<vmem>> -> memref<1x128x128xf32, #tpu.memory_space<vmem>>
    %dma_wait3A_270 = tpu.memref_squeeze %dma_wait3A_269 : memref<1x128x128xf32, #tpu.memory_space<vmem>> -> memref<128x128xf32, #tpu.memory_space<vmem>>
    %dma_wait3A_271 = arith.constant 0 : i32
    %dma_wait3A_272 = tpu.memref_slice %arg6[%mul3A_2, %dma_wait3A_271] : memref<16384x128xf32, #tpu.memory_space<hbm>> -> memref<128x128xf32, #tpu.memory_space<hbm>>
    %dma_wait3A_273 = arith.constant 0 : i32
    %dma_wait3A_274 = tpu.memref_slice %arg6[%mul3A_2, %dma_wait3A_273] : memref<16384x128xf32, #tpu.memory_space<hbm>> -> memref<128x128xf32, #tpu.memory_space<hbm>>
    %dma_wait3A_275 = arith.constant 0 : i32
    %dma_wait3A_276 = arith.constant 0 : i32
    %dma_wait3A_277 = tpu.memref_slice %arg13[%dma_wait3A_266, %dma_wait3A_275, %dma_wait3A_276] : memref<2x128x128xf32, #tpu.memory_space<vmem>> -> memref<1x128x128xf32, #tpu.memory_space<vmem>>
    %dma_wait3A_278 = tpu.memref_squeeze %dma_wait3A_277 : memref<1x128x128xf32, #tpu.memory_space<vmem>> -> memref<128x128xf32, #tpu.memory_space<vmem>>
    tpu.wait_dma2 semaphore(%arg17 : memref<!tpu.dma_semaphore, #tpu.memory_space<semaphore_mem>>) src(%dma_wait3A_278 : memref<128x128xf32, #tpu.memory_space<vmem>>) dst(%dma_wait3A_274 : memref<128x128xf32, #tpu.memory_space<hbm>>)
    return
  }
}

module attributes {stable_mosaic.version = 14 : i64} {
  func.func @_copy_body(%arg0: i32, %arg1: memref<2048x128xf32, #tpu.memory_space<vmem>>, %arg2: memref<2048x128xf32, #tpu.memory_space<vmem>>) attributes {dimension_semantics = [#tpu.dimension_semantics<arbitrary>], iteration_bounds = array<i64: 8>, scalar_prefetch = 0 : i64, scratch_operands = 0 : i64, tpu.core_type = #tpu.core_type<tc>, window_params = [{transform_indices = @transform_0, window_bounds = array<i64: 2048, 128>}, {transform_indices = @transform_1, window_bounds = array<i64: 2048, 128>}]} {
    %get3A = arith.constant 0 : index
    %get3A_0 = arith.constant 0 : index
    %get3A_1 = vector.load %arg1[%get3A, %get3A_0] : memref<2048x128xf32, #tpu.memory_space<vmem>>, vector<2048x128xf32>
    %swap3A = arith.constant 0 : index
    %swap3A_2 = arith.constant 0 : index
    %swap3A_3 = vector.load %arg2[%swap3A, %swap3A_2] : memref<2048x128xf32, #tpu.memory_space<vmem>>, vector<2048x128xf32>
    tpu.vector_store %arg2[%swap3A, %swap3A_2], %get3A_1 {strides = array<i32>} : memref<2048x128xf32, #tpu.memory_space<vmem>>, vector<2048x128xf32>,
    return
  }
  func.func @transform_0(%arg0: i32) -> (i32, i32) {
    %c0_i32 = arith.constant 0 : i32
    %c0_i32_0 = arith.constant 0 : i32
    return %arg0, %c0_i32 : i32, i32
  }
  func.func @transform_1(%arg0: i32) -> (i32, i32) {
    %c0_i32 = arith.constant 0 : i32
    %c0_i32_0 = arith.constant 0 : i32
    return %arg0, %c0_i32 : i32, i32
  }
}

</mosaic_0001>

<sc_bundles>
// kernel: kernel.4.cloned.1.call-start
scs
__scs_entry_jumppad:
0x0: {  	(pc) =	sbr.rel $0x88, $3  }
0x1: {  	(tag) =	ssettag $0x0;
	lr =	simm.s32 $0x1  }
0x2: {  	[smem:$0x3F9E] =	sst lr;
	_ =	strace $0xD0000000  }
0x3: {  	_ = 	snop  }
0x4: {  	_ = 	snop  }
0x5: {  	_ = 	snop  }
0x6: {  	_ = 	snop  }
0x7: {  	_ = 	snop  }
__scs_overlays_trampoline_lowered:
0x8: {  	[smem:$0x3FAD] =	sst s0  }
0x9: {  	[smem:$0x3FAE] =	sst s1  }
0xa: {  	[smem:$0x3FAF] =	sst s2  }
0xb: {  	[smem:$0x3FB0] =	sst s3  }
0xc: {  	[smem:$0x3FB1] =	sst s4  }
0xd: {  	[smem:$0x3FB2] =	sst s5  }
0xe: {  	[smem:$0x3FB3] =	sst s6  }
0xf: {  	[smem:$0x3FB4] =	sst s7  }
0x10: {  	[smem:$0x3FB5] =	sst s8  }
0x11: {  	[smem:$0x3FB6] =	sst s9;
	s0 =	simm.s32 @!p0 $0x0  }
0x12: {  	s1 =	sld [smem:$0x3F9C];
	s0 =	simm.s32 @p0 $0x1  }
0x13: {  	[smem:$0x3FB7] =	sst s0;
	s0 =	simm.s32 @!p1 $0x0  }
0x14: {  	s2 =	sld [smem:$0x3F9B];
	s0 =	simm.s32 @p1 $0x1  }
0x15: {  	[smem:$0x3FB8] =	sst s0;
	s0 =	simm.s32 @!p2 $0x0  }
0x16: {  	s3 =	sld [smem:$0x3FDB];
	s0 =	simm.s32 @p2 $0x1  }
0x17: {  	s4 =	simm.s32 $0x1BF5;
	[smem:$0x3FBA] =	sst s0  }
0x18: {  	s0 =	sld [smem:$0x3F9D];
	_ =	swait.ge [sflag:s4], $0x0  }
0x19: {  	s7 =	sld [smem:$0x3F9E]  }
0x1a: {  	s8 =	sadd.s32 $0xFFFFE003, lr  }
0x1b: {  	s9 =	sadd.s32 $0xFFFFFEF7, lr;
	s5 =	simm.s32 $0xFFFFFFFF;
	p2 =	slt.u32 s8, $0xFFFFF086  }
0x1c: {  	p1 =	slt.u32 s9, $0xF7A;
	s5 =	simm.s32 @!p2 $0x0  }
0x1d: {  	s5 =	simm.s32 @p1 $0x1;
	p0 =	seq.s32 s7, s2  }
0x1e: {  	s7 =	smul.u32 @!p0 $0xF7A, s2;
	p2 =	seq.s32 @!p0 s5, $0x0  }
0x1f: {  	s9 =	smul.u32 $0xF7A, s1;
	s8 =	simm.s32 @!p0 $0x1BF5;
	p2 =	por !p2, p0  }
0x20: {  	[sflag:s8] =	ssyncset.s32 @!p0 $0xFFFFF086;
	s6 =	sadd.s32 @!p0 s3, s7;
	s7 =	simm.s32 @!p0 $0x108  }
0x21: {  	s3 =	sadd.s32 s3, s9;
	s6 =	sadd.s32 @!p0 $0x88, s6;
	s7 =	simm.s32 @p2 $0x1082  }
0x22: {  	[simem:s7], [sflag:s8] =	dma.local @!p0 [hbm:s6], $0xF7A  }
0x23: {  	s9 =	sor.u32 $0xD0000000, s2;
	s6 =	simm.s32 $0x108;
	_ =	swait.ge @!p0 [sflag:s8], $0x0  }
0x24: {  	s3 =	sadd.s32 $0x88, s3;
	s6 =	simm.s32 @!p1 $0x1082;
	[sflag:s4] =	ssyncset.s32 $0xFFFFF086  }
0x25: {  	[simem:s6], [sflag:s4] =	dma.local [hbm:s3], $0xF7A  }
0x26: {  	[smem:$0x3F9E] =	sst s1;
	(tag) =	ssettag s2;
	_ =	strace s9  }
0x27: {  	s1 =	sld [smem:$0x3FAE]  }
0x28: {  	s2 =	sld [smem:$0x3FAF]  }
0x29: {  	s4 =	sld [smem:$0x3FB1]  }
0x2a: {  	p0 =	seq.s32 s5, $0x0;
	s5 =	sld [smem:$0x3FB2]  }
0x2b: {  	s6 =	sld [smem:$0x3FB3]  }
0x2c: {  	s7 =	sld [smem:$0x3FB4]  }
0x2d: {  	s3 =	simm.s32 $0x108;
	s8 =	sld [smem:$0x3FB5]  }
0x2e: {  	s3 =	simm.s32 @!p0 $0x1082;
	s9 =	sld [smem:$0x3FB6]  }
0x2f: {  	lr =	sadd.s32 s0, s3;
	s0 =	sld [smem:$0x3FAD]  }
0x30: {  	s3 =	sld [smem:$0x3FB0]  }
0x31: {  	[smem:$0x3FB9] =	sst s10  }
0x32: {  	s10 =	sld [smem:$0x3FB7];
	_ =	sdelay $0x3  }
0x33: {  	p0 =	seq.s32 s10, $0x1;
	s10 =	sld [smem:$0x3FB9];
	_ =	sdelay $0x3  }
0x34: {  	[smem:$0x3FB9] =	sst s10  }
0x35: {  	s10 =	sld [smem:$0x3FB8];
	_ =	sdelay $0x3  }
0x36: {  	p1 =	seq.s32 s10, $0x1;
	s10 =	sld [smem:$0x3FB9];
	_ =	sdelay $0x3  }
0x37: {  	[smem:$0x3FB9] =	sst s10  }
0x38: {  	s10 =	sld [smem:$0x3FBA]  }
0x39: {  	_ = 	snop;
	(pc) =	sbr.ind lr, $3  }
0x3a: {  	_ = 	snop  }
0x3b: {  	_ = 	snop  }
0x3c: {  	p2 =	seq.s32 s10, $0x1;
	s10 =	sld [smem:$0x3FB9]  }
0x3d: {  	_ =	shalt  }
0x3e: {  	_ =	shalt  }
0x3f: {  	_ =	shalt  }
0x40: {  	_ =	shalt  }
0x41: {  	_ =	shalt  }
0x42: {  	_ =	shalt  }
0x43: {  	_ =	shalt  }
0x44: {  	_ =	shalt  }
0x45: {  	_ =	shalt  }
0x46: {  	_ =	shalt  }
0x47: {  	_ =	shalt  }
0x48: {  	_ =	shalt  }
0x49: {  	_ =	shalt  }
0x4a: {  	_ =	shalt  }
0x4b: {  	_ =	shalt  }
0x4c: {  	_ =	shalt  }
0x4d: {  	_ =	shalt  }
0x4e: {  	_ =	shalt  }
0x4f: {  	_ =	shalt  }
0x50: {  	_ =	shalt  }
0x51: {  	_ =	shalt  }
0x52: {  	_ =	shalt  }
0x53: {  	_ =	shalt  }
0x54: {  	_ =	shalt  }
0x55: {  	_ =	shalt  }
0x56: {  	_ =	shalt  }
0x57: {  	_ =	shalt  }
0x58: {  	_ =	shalt  }
0x59: {  	_ =	shalt  }
0x5a: {  	_ =	shalt  }
0x5b: {  	_ =	shalt  }
0x5c: {  	_ =	shalt  }
0x5d: {  	_ =	shalt  }
0x5e: {  	_ =	shalt  }
0x5f: {  	_ =	shalt  }
0x60: {  	_ =	shalt  }
0x61: {  	_ =	shalt  }
0x62: {  	_ =	shalt  }
0x63: {  	_ =	shalt  }
0x64: {  	_ =	shalt  }
0x65: {  	_ =	shalt  }
0x66: {  	_ =	shalt  }
0x67: {  	_ =	shalt  }
0x68: {  	_ =	shalt  }
0x69: {  	_ =	shalt  }
0x6a: {  	_ =	shalt  }
0x6b: {  	_ =	shalt  }
0x6c: {  	_ =	shalt  }
0x6d: {  	_ =	shalt  }
0x6e: {  	_ =	shalt  }
0x6f: {  	_ =	shalt  }
0x70: {  	_ =	shalt  }
0x71: {  	_ =	shalt  }
0x72: {  	_ =	shalt  }
0x73: {  	_ =	shalt  }
0x74: {  	_ =	shalt  }
0x75: {  	_ =	shalt  }
0x76: {  	_ =	shalt  }
0x77: {  	_ =	shalt  }
0x78: {  	_ =	shalt  }
0x79: {  	_ =	shalt  }
0x7a: {  	_ =	shalt  }
0x7b: {  	_ =	shalt  }
0x7c: {  	_ =	shalt  }
0x7d: {  	_ =	shalt  }
0x7e: {  	_ =	shalt  }
0x7f: {  	_ =	shalt  }
0x80: {  	_ =	shalt  }
0x81: {  	_ =	shalt  }
0x82: {  	_ =	shalt  }
0x83: {  	_ =	shalt  }
0x84: {  	_ =	shalt  }
0x85: {  	_ =	shalt  }
0x86: {  	_ =	shalt  }
0x87: {  	_ =	shalt  }
.Lfunc_end0:
.L_simem_size_0:
called_computation_lowered:
.L_overlay_start_0:
0x88: {  	s2 =	sld [smem:$0x3FD9]  }
0x89: {  	s3 =	sld [smem:$0x3FFE];
	_ =	sdelay $0x1  }
0x8a: {  	s1 =	srdreg.scid  }
0x8b: {  	s0 =	sand.u32 $0x1, s1  }
0x8c: {  	s14 =	sshll.u32 s0, $0xA;
	s2 =	sadd.s32 s3, s2  }
0x8d: {  	s2 =	sadd.s32 s2, s14  }
0x8e: {  	[smem:$0x3FC5] =	sst s2  }
0x8f: {  	_ = 	snop  }
0x90: {  	s2 =	sld [smem:$0x3FD0]  }
0x91: {  	s15 =	sld [smem:$0x3FC9]  }
0x92: {  	s4 =	sld [smem:$0x3FC8]  }
0x93: {  	s6 =	simm.s32 $0xA;
	s7 =	simm.s32 $0x10;
	s5 =	sld [smem:$0x3FC7]  }
0x94: {  	[smem:s7], [sflag:s6] =	dma.local [hbm:s2], $0x1  }
0x95: {  	_ =	swait.eq [sflag:s6], $0x1  }
0x96: {  	[sflag:s6] =	ssyncset.done $0x0  }
0x97: {  	[sflag:s6] =	ssyncadd.s32 $0xFFFFFFFF  }
0x98: {  	s16 =	sld [smem:$0x10];
	(tm) =	ssettm $0x1  }
0x99: {  	s17 =	sld [smem:$0x3FFB];
	_ =	sdelay $0x3  }
0x9a: {  	_ =	strace s17  }
0x9b: {  	s6 =	sld [smem:$0x3FFC];
	_ =	sdelay $0x3  }
0x9c: {  	_ =	strace s6  }
0x9d: {  	s6 =	sld [smem:$0x3FFD];
	_ =	sdelay $0x3  }
0x9e: {  	_ =	strace s6  }
0x9f: {  	_ =	strace $0x8FFFFFFF  }
0xa0: {  	s18 =	sld [smem:$0x3FDB];
	_ =	sdelay $0x1  }
0xa1: {  	s19 =	simm.s32 $_scs_section_size  }
0xa2: {  	s8 =	simm.s32 $_size__tile_overlayer_lowered;
	s9 =	simm.s32 $_tile_overlayer_lowered  }
0xa3: {  	s22 =	simm.s32 $0x1BFF;
	s21 =	sshll.u32 s9, $0x1;
	s6 =	sadd.s32 s19, s18  }
0xa4: {  	s10 =	simm.s32 $0x0;
	s20 =	sshll.u32 s8, $0x1;
	s8 =	sadd.s32 s21, s6  }
0xa5: {  	[timem:s10], [sflag:s22] =	dma.local [hbm:s8], s20  }
0xa6: {  	_ =	swait.ge [sflag:s22], s20  }
0xa7: {  	s7 =	ssub.s32 $0x0, s20;
	[sflag:s22] =	ssyncset.done $0x0  }
0xa8: {  	[sflag:s22] =	ssyncadd.s32 s7;
	_ =	sdelay $0x1  }
0xa9: {  	s23 =	simm.s32 $0x1B8B  }
0xaa: {  	_ =	swait.ge [sflag:s23], $0x1  }
0xab: {  	[sflag:s23] =	ssyncset.done $0x0  }
0xac: {  	s25 =	simm.s32 $0x1B8E;
	s24 =	sld [smem:$0x3FFE];
	[sflag:s23] =	ssyncadd.s32 $0xFFFFFFFF  }
0xad: {  	s26 =	simm.s32 $execute0_lowered;
	[smem:$0x3FD2] =	sst s25  }
0xae: {  	s8 =	sshll.u32 s26, $0x1;
	_ =	strace $0x80000046;
	[dreg:$0x1] =	wrdreg $0xFFFFFFFF  }
0xaf: {  	s28 =	simm.s32 $_size_execute0_lowered;
	s6 =	sadd.s32 s6, s8;
	[dreg:$0x0] =	wrdreg $0x0  }
0xb0: {  	s8 =	sshll.u32 s28, $0x1;
	[dreg:$0x2] =	wrdreg s6  }
0xb1: {  	[dreg:$0x3] =	wrdreg s8  }
0xb2: {  	[dreg:$0x4] =	wrdreg $0xC0  }
0xb3: {  	_ =	task [dreg:s10], $0x5FFFF  }
0xb4: {  	[dreg:$0x1] =	wrdreg $0xFFFFFFFF  }
0xb5: {  	[dreg:$0x0] =	wrdreg $0x60  }
0xb6: {  	[dreg:$0x2] =	wrdreg s24  }
0xb7: {  	[dreg:$0x3] =	wrdreg s4  }
0xb8: {  	[dreg:$0x4] =	wrdreg s15  }
0xb9: {  	[dreg:$0x5] =	wrdreg s5  }
0xba: {  	[dreg:$0x6] =	wrdreg s16  }
0xbb: {  	[dreg:$0x7] =	wrdreg $0x9  }
0xbc: {  	_ =	task.clear_ibuf [dreg:s10], $0x8FFFF;
	_ =	strace $0x90000046  }
0xbd: {  	s29 =	simm.s32 $0x9;
	_ =	strace $0x80000048  }
0xbe: {  	_ =	swait.ge [sflag:s29], $0x1  }
0xbf: {  	[sflag:s29] =	ssyncadd.s32 $0xFFFFFFFF  }
0xc0: {  	_ =	strace $0x90000048  }
0xc1: {  	_ =	sfence  }
0xc2: {  	s30 =	sld [smem:$0x0];
	_ =	sdelay $0x2  }
0xc3: {  	s31 =	sshll.u32 s1, $0xD;
	s1 =	sshrl.u32 s1, $0x2  }
0xc4: {  	s3 =	sand.u32 $0x4000, s31;
	s1 =	sadd.s32 s1, s30  }
0xc5: {  	s0 =	sor.u32 s3, s0;
	s1 =	sshll.u32 s1, $0x11  }
0xc6: {  	s0 =	sor.u32 s1, s0  }
0xc7: {  	s0 =	sadd.s32 $0x8F2B, s0  }
0xc8: {  	[sflag:s0] =	ssyncadd.remote.s32 $0x1  }
0xc9: {  	_ =	sfence.sel $0xFFFF  }
0xca: {  	[dreg:$0x0] =	wrdreg $0xFFFFFFFF;
	(pc) =	sbr.abs _section_cstart, $3  }
0xcb: {  	[dreg:$0x1] =	wrdreg $0xFFFFFFFF  }
0xcc: {  	_ =	task.clear_ibuf [dreg:s10], $0x2FFFF;
	_ =	strace $0x9FFFFFFF  }
0xcd: {  	(tm) =	ssettm $0x7FFFFFFF  }
tec
execute0_lowered:
.L_overlay_start_1:
0x0: {  	(tag) =	ssettag $0x1  }
0x1: {  	s0 =	rddreg [dreg:$0x0]  }
0x2: {  	s3 =	rddreg [dreg:$0x1]  }
0x3: {  	s1 =	rddreg [dreg:$0x2]  }
0x4: {  	s2 =	rddreg [dreg:$0x3];
	s6 =	srdreg.scid  }
0x5: {  	s5 =	rddreg [dreg:$0x4];
	s7 =	stileid.u32;
	s6 =	sand.u32 $0x1, s6  }
0x6: {  	s4 =	simm.s32 $0x0;
	s7 =	sshll.u32 s7, $0xA;
	s8 =	sshll.u32 s6, $0x9  }
0x7: {  	[smem:$0x7FF] =	sst s4;
	s0 =	sadd.s32 $0x600, s0;
	s7 =	sor.u32 s8, s7  }
0x8: {  	_ =	strace $0x80000047;
	s6 =	ssub.s32 $0x2, s6;
	s8 =	sshll.u32 s7, $0x4  }
0x9: {  	[dreg:$0x6] =	wrdreg s0;
	s22 =	sshrl.u32 s6, $0x1;
	s23 =	sadd.s32 s1, s8  }
0xa: {  	s7 =	sshrl.u32 s7, $0x3;
	s9 =	sadd.s32 s2, s8;
	[dreg:$0x7] =	wrdreg s23  }
0xb: {  	s6 =	ssub.s32 s6, s22;
	s12 =	sadd.s32 s3, s7;
	[dreg:$0x8] =	wrdreg s9  }
0xc: {  	s24 =	sor.u32 $0x200, s8;
	s22 =	sor.u32 $0x800, s8;
	[dreg:$0xf] =	wrdreg s12  }
0xd: {  	s25 =	sadd.s32 s1, s24;
	[dreg:$0x17] =	wrdreg s22  }
0xe: {  	s26 =	sor.u32 $0x400, s8;
	s0 =	sadd.s32 s2, s24;
	[dreg:$0x9] =	wrdreg s25  }
0xf: {  	s28 =	sadd.s32 s1, s26;
	[dreg:$0xa] =	wrdreg s0  }
0x10: {  	s10 =	sor.u32 $0x600, s8;
	s9 =	sadd.s32 s2, s26;
	[dreg:$0xb] =	wrdreg s28  }
0x11: {  	s13 =	sor.u32 $0x1000, s8;
	s11 =	sadd.s32 s1, s10;
	[dreg:$0xc] =	wrdreg s9  }
0x12: {  	s16 =	sor.u32 $0x1200, s8;
	s14 =	sadd.s32 s1, s13;
	[dreg:$0xd] =	wrdreg s11  }
0x13: {  	s15 =	sadd.s32 s5, s8;
	s17 =	sadd.s32 s1, s16;
	[dreg:$0x10] =	wrdreg s14  }
0x14: {  	s18 =	sor.u32 $0x1400, s8;
	s3 =	sadd.s32 s2, s16;
	[dreg:$0x12] =	wrdreg s17  }
0x15: {  	s20 =	sor.u32 $0x1600, s8;
	s19 =	sadd.s32 s1, s18;
	[dreg:$0x13] =	wrdreg s3  }
0x16: {  	s29 =	sor.u32 $0x1800, s8;
	s21 =	sadd.s32 s1, s20;
	[dreg:$0x14] =	wrdreg s19  }
0x17: {  	s30 =	sor.u32 $0x1A00, s8;
	s24 =	sor.u32 $0xA00, s8;
	[dreg:$0x16] =	wrdreg s21  }
0x18: {  	s31 =	sor.u32 $0x1C00, s8;
	s26 =	sor.u32 $0xE00, s8;
	[dreg:$0x18] =	wrdreg s24  }
0x19: {  	s7 =	simm.s32 $0x0;
	s0 =	sadd.s32 s2, s10;
	[dreg:$0x1a] =	wrdreg s26  }
0x1a: {  	s23 =	sadd.s32 s2, s20;
	s25 =	sor.u32 $0xC00, s8;
	[dreg:$0xe] =	wrdreg s0  }
0x1b: {  	s28 =	smax.u32 s6, $0x1;
	s14 =	simm.s32 $0x1;
	[dreg:$0x19] =	wrdreg s25  }
0x1c: {  	s3 =	simm.s32 $0x600;
	s0 =	sadd.s32 s2, s13;
	[dreg:$0x1b] =	wrdreg s28  }
0x1d: {  	s24 =	simm.s32 $0x800;
	[dreg:$0x11] =	wrdreg s0;
	s0 =	sadd.s32 s2, s18  }
0x1e: {  	s26 =	simm.s32 $0x2;
	[dreg:$0x15] =	wrdreg s0;
	s0 =	sor.u32 $0x1E00, s8  }
.LBB2_1:
0x1f: {  	[dreg:$0x1c] =	wrdreg s7  }
0x20: {  	s5 =	rddreg [dreg:$0x7];
	s6 =	simm.s32 $0xA00  }
0x21: {  	[tilespmem:s6], [sflag:$0x1] =	stream.linear.gather [hbm4b:s5+s4], $0x1000, $0x38;
	[tilespmem:$0x18A00] =	vst v63  }
0x22: {  	s19 =	rddreg [dreg:$0x8];
	s20 =	simm.s32 $0x8A00  }
0x23: {  	[tilespmem:s20], [sflag:$0x1] =	stream.linear.gather [hbm4b:s19+s4], $0x1000, $0x38;
	[tilespmem:$0x18A00] =	vst v63  }
0x24: {  	s21 =	rddreg [dreg:$0x9];
	s22 =	simm.s32 $0x1A00  }
0x25: {  	[tilespmem:s22], [sflag:$0x1] =	stream.linear.gather [hbm4b:s21+s4], $0x1000, $0x38;
	[tilespmem:$0x18A00] =	vst v63  }
0x26: {  	s25 =	rddreg [dreg:$0xa];
	s28 =	simm.s32 $0x9A00  }
0x27: {  	[tilespmem:s28], [sflag:$0x1] =	stream.linear.gather [hbm4b:s25+s4], $0x1000, $0x38;
	[tilespmem:$0x18A00] =	vst v63  }
0x28: {  	s7 =	rddreg [dreg:$0xb];
	s8 =	simm.s32 $0x2A00  }
0x29: {  	[tilespmem:s8], [sflag:$0x1] =	stream.linear.gather [hbm4b:s7+s4], $0x1000, $0x38;
	[tilespmem:$0x18A00] =	vst v63  }
0x2a: {  	s9 =	rddreg [dreg:$0xc];
	s10 =	simm.s32 $0xAA00  }
0x2b: {  	[tilespmem:s10], [sflag:$0x1] =	stream.linear.gather [hbm4b:s9+s4], $0x1000, $0x38;
	[tilespmem:$0x18A00] =	vst v63  }
0x2c: {  	s11 =	rddreg [dreg:$0xd];
	s12 =	simm.s32 $0x3A00  }
0x2d: {  	[tilespmem:s12], [sflag:$0x1] =	stream.linear.gather [hbm4b:s11+s4], $0x1000, $0x38;
	[tilespmem:$0x18A00] =	vst v63  }
0x2e: {  	s13 =	rddreg [dreg:$0xe];
	s16 =	simm.s32 $0xBA00  }
0x2f: {  	[tilespmem:s16], [sflag:$0x1] =	stream.linear.gather [hbm4b:s13+s4], $0x1000, $0x38;
	[tilespmem:$0x18A00] =	vst v63  }
0x30: {  	s17 =	rddreg [dreg:$0x6];
	s18 =	simm.s32 $0x5  }
0x31: {  	[tilespmem:s4], [sflag:$0x5] =	stream.linear.gather [hbm4b:s17+s4], $0x400, $0x38;
	[tilespmem:$0x18A00] =	vst v63  }
0x32: {  	_ =	swait.ge [sflag:s18], $0x400  }
0x33: {  	[sflag:s18] =	ssyncset.done $0x0  }
0x34: {  	s20 =	simm.s32 $0x400;
	s19 =	rddreg [dreg:$0xf];
	[sflag:s18] =	ssyncadd.s32 $0xFFFFFC00  }
0x35: {  	[tilespmem:s20], [sflag:$0x5] =	stream.linear.gather [hbm4b:s19+s4], $0x200, $0x38;
	[tilespmem:$0x18A00] =	vst v63  }
0x36: {  	_ =	swait.ge [sflag:s18], $0x200  }
0x37: {  	[sflag:s18] =	ssyncset.done $0x0  }
0x38: {  	s21 =	simm.s32 $0x420;
	[sflag:s18] =	ssyncadd.s32 $0xFFFFFE00  }
0x39: {  	v0 =	vld [tilespmem:s21+$0x10]  }
0x3a: {  	v1 =	vld [tilespmem:s21+$0xFFFFFFF0]  }
0x3b: {  	v2 =	vld [tilespmem:s21+$0x0]  }
0x3c: {  	s22 =	simm.s32 $0x460;
	v3 =	vld [tilespmem:s21+$0xFFFFFFE0]  }
0x3d: {  	v6 =	vld [tilespmem:s22+$0x10]  }
0x3e: {  	v7 =	vld [tilespmem:s22+$0xFFFFFFF0]  }
0x3f: {  	v8 =	vld [tilespmem:s22+$0x0]  }
0x40: {  	s28 =	simm.s32 $0x4A0;
	v10 =	vld [tilespmem:s22+$0xFFFFFFE0]  }
0x41: {  	v12 =	vld [tilespmem:s28+$0x10]  }
0x42: {  	v13 =	vld [tilespmem:s28+$0xFFFFFFF0]  }
0x43: {  	v14 =	vld [tilespmem:s28+$0x0]  }
0x44: {  	v5 =	vld.idx.msk [tilespmem:v1+s4+$0x0], $0xffff  }
0x45: {  	v4 =	vld.idx.msk [tilespmem:v0+s4+$0x0], $0xffff  }
0x46: {  	v9 =	vld.idx.msk [tilespmem:v2+s4+$0x0], $0xffff  }
0x47: {  	v11 =	vld.idx.msk [tilespmem:v7+s4+$0x0], $0xffff  }
0x48: {  	s25 =	simm.s32 $0x620;
	v0 =	vadd.s32 $0x200, v0;
	v16 =	vld.idx.msk [tilespmem:v10+s4+$0x0], $0xffff  }
0x49: {  	v1 =	vadd.s32 $0x200, v1;
	[tilespmem:s25+$0xFFFFFFF0] =	vst v5;
	v5 =	vld.idx.msk [tilespmem:v3+s4+$0x0], $0xffff  }
0x4a: {  	v2 =	vadd.s32 $0x200, v2;
	[tilespmem:s25+$0x10] =	vst v4;
	v4 =	vld.idx.msk [tilespmem:v6+s4+$0x0], $0xffff  }
0x4b: {  	[tilespmem:s25+$0x0] =	vst v9;
	v9 =	vld.idx.msk [tilespmem:v8+s4+$0x0], $0xffff  }
0x4c: {  	v17 =	vadd.s32 $0x200, v8;
	v6 =	vadd.s32 $0x200, v6;
	v8 =	vld.idx.msk [tilespmem:v13+s4+$0x0], $0xffff  }
0x4d: {  	s5 =	simm.s32 $0x660;
	v3 =	vadd.s32 $0x200, v3;
	v0 =	vld.idx.msk [tilespmem:v0+s4+$0x0], $0xffff  }
0x4e: {  	v7 =	vadd.s32 $0x200, v7;
	[tilespmem:s5+$0xFFFFFFF0] =	vst v11;
	v1 =	vld.idx.msk [tilespmem:v1+s4+$0x0], $0xffff  }
0x4f: {  	[tilespmem:s5+$0xFFFFFFE0] =	vst v16;
	v2 =	vld.idx.msk [tilespmem:v2+s4+$0x0], $0xffff  }
0x50: {  	[tilespmem:s5+$0x10] =	vst v4;
	v4 =	vld [tilespmem:s28+$0xFFFFFFE0]  }
0x51: {  	[tilespmem:s25+$0xFFFFFFE0] =	vst v5;
	v15 =	vld.idx.msk [tilespmem:v6+s4+$0x0], $0xffff  }
0x52: {  	s8 =	simm.s32 $0x820;
	[tilespmem:s5+$0x0] =	vst v9;
	v6 =	vld.idx.msk [tilespmem:v3+s4+$0x0], $0xffff  }
0x53: {  	v5 =	vld.idx.msk [tilespmem:v7+s4+$0x0], $0xffff;
	[tilespmem:s8+$0x10] =	vst v0  }
0x54: {  	v7 =	vld.idx.msk [tilespmem:v12+s4+$0x0], $0xffff;
	[tilespmem:s8+$0xFFFFFFF0] =	vst v1  }
0x55: {  	s6 =	simm.s32 $0x0;
	s7 =	simm.s32 $0x860;
	v11 =	vadd.s32 $0x200, v12;
	v9 =	vld.idx.msk [tilespmem:v14+s4+$0x0], $0xffff;
	[tilespmem:s8+$0x0] =	vst v2;
	v0 =	vadd.s32 $0x200, v10  }
0x56: {  	s9 =	simm.s32 $0x80;
	s10 =	simm.s32 $0x0;
	s11 =	simm.s32 $0x4E0;
	v1 =	vadd.s32 $0x200, v13;
	v2 =	vadd.s32 $0x200, v14;
	v10 =	vld.idx.msk [tilespmem:v17+s4+$0x0], $0xffff;
	v3 =	vadd.s32 $0x200, v4;
	[tilespmem:s7+$0x10] =	vst v15  }
.LBB2_2:
0x57: {  	v12 =	vld [tilespmem:s11+$0x10];
	s9 =	sadd.s32 $0x40, s9;
	[tilespmem:s8+$0xFFFFFFE0] =	vst v6;
	s8 =	smov.u32 s7  }
0x58: {  	s5 =	sadd.s32 $0x40, s5;
	v13 =	vld [tilespmem:s11+$0xFFFFFFF0];
	p0 =	slt.u32 s9, $0x1C0;
	[tilespmem:s7+$0xFFFFFFF0] =	vst v5  }
0x59: {  	v14 =	vld [tilespmem:s11+$0x0];
	[tilespmem:s5+$0x10] =	vst v7  }
0x5a: {  	[tilespmem:s5+$0xFFFFFFF0] =	vst v8;
	v11 =	vld.idx.msk [tilespmem:v11+s6+$0x0], $0xffff  }
0x5b: {  	v15 =	vld [tilespmem:s11+$0xFFFFFFE0];
	[tilespmem:s5+$0x0] =	vst v9  }
0x5c: {  	v16 =	vld.idx.msk [tilespmem:v4+s6+$0x0], $0xffff;
	[tilespmem:s7+$0x0] =	vst v10  }
0x5d: {  	v4 =	vadd.s32 $0x200, v13;
	v6 =	vld.idx.msk [tilespmem:v0+s10+$0x0], $0xffff;
	v0 =	vmov v3;
	s10 =	smov.u32 s6  }
.Ltmp0:
0x5e: {  	s6 =	simm.s32 $0x0;
	v17 =	vadd.s32 $0x200, v14;
	v5 =	vld.idx.msk [tilespmem:v1+s10+$0x0], $0xffff;
	v1 =	vmov v4;
	(pc) =	sbr.rel @p0 .LBB2_2-.Ltmp0, $4  }
0x5f: {  	s7 =	sadd.s32 $0x40, s7;
	v7 =	vld.idx.msk [tilespmem:v12+s6+$0x0], $0xffff  }
0x60: {  	v3 =	vadd.s32 $0x200, v15;
	v8 =	vld.idx.msk [tilespmem:v13+s6+$0x0], $0xffff;
	[tilespmem:s7+$0x10] =	vst v11;
	v4 =	vmov v15  }
0x61: {  	v11 =	vadd.s32 $0x200, v12;
	v9 =	vld.idx.msk [tilespmem:v14+s6+$0x0], $0xffff  }
0x62: {  	s11 =	sadd.s32 $0x40, s11;
	[tilespmem:s5+$0xFFFFFFE0] =	vst v16;
	v10 =	vld.idx.msk [tilespmem:v2+s10+$0x0], $0xffff;
	v2 =	vmov v17  }
0x63: {  	_ =	sdelay $0x3  }
0x64: {  	[tilespmem:s8+$0xFFFFFFE0] =	vst v6;
	v4 =	vld.idx.msk [tilespmem:v4+s6+$0x0], $0xffff  }
0x65: {  	s5 =	sadd.s32 $0x40, s5;
	[tilespmem:s7+$0xFFFFFFF0] =	vst v5  }
0x66: {  	v0 =	vld.idx.msk [tilespmem:v0+s10+$0x0], $0xffff;
	[tilespmem:s5+$0x10] =	vst v7  }
0x67: {  	v63 =	vld.idx.msk [tilespmem:v11+s6+$0x0], $0xffff;
	[tilespmem:s5+$0xFFFFFFF0] =	vst v8  }
0x68: {  	[tilespmem:s5+$0x0] =	vst v9;
	v1 =	vld.idx.msk [tilespmem:v1+s6+$0x0], $0xffff  }
0x69: {  	v2 =	vld.idx.msk [tilespmem:v2+s6+$0x0], $0xffff;
	[tilespmem:s5+$0xFFFFFFE0] =	vst v4  }
0x6a: {  	[tilespmem:s7+$0x0] =	vst v10;
	v3 =	vld.idx.msk [tilespmem:v3+s6+$0x0], $0xffff  }
0x6b: {  	s28 =	sadd.s32 $0x40, s7;
	[tilespmem:s7+$0xFFFFFFE0] =	vst v0  }
0x6c: {  	[tilespmem:s28+$0x10] =	vst v63  }
0x6d: {  	[tilespmem:s28+$0xFFFFFFF0] =	vst v1  }
0x6e: {  	[tilespmem:s28+$0x0] =	vst v2  }
0x6f: {  	[tilespmem:s28+$0xFFFFFFE0] =	vst v3  }
0x70: {  	s9 =	rddreg [dreg:$0x17]  }
0x71: {  	s8 =	rddreg [dreg:$0x18]  }
0x72: {  	s7 =	rddreg [dreg:$0x19]  }
0x73: {  	p1 =	por $0x0, $0x0;
	s5 =	rddreg [dreg:$0x1a]  }
.LBB2_4:
0x74: {  	s10 =	sadd.s32 s1, s9;
	s11 =	simm.s32 $0x4A00  }
0x75: {  	[tilespmem:s11], [sflag:$0x2] =	stream.linear.gather [hbm4b:s10+s4], $0x1000, $0x38;
	[tilespmem:$0x18A00] =	vst v63  }
0x76: {  	s16 =	sadd.s32 s2, s9;
	s17 =	simm.s32 $0xCA00  }
0x77: {  	[tilespmem:s17], [sflag:$0x2] =	stream.linear.gather [hbm4b:s16+s4], $0x1000, $0x38;
	[tilespmem:$0x18A00] =	vst v63  }
0x78: {  	s18 =	sadd.s32 s1, s8;
	s19 =	simm.s32 $0x5A00  }
0x79: {  	[tilespmem:s19], [sflag:$0x2] =	stream.linear.gather [hbm4b:s18+s4], $0x1000, $0x38;
	[tilespmem:$0x18A00] =	vst v63  }
0x7a: {  	s20 =	sadd.s32 s2, s8;
	s21 =	simm.s32 $0xDA00  }
0x7b: {  	[tilespmem:s21], [sflag:$0x2] =	stream.linear.gather [hbm4b:s20+s4], $0x1000, $0x38;
	[tilespmem:$0x18A00] =	vst v63  }
0x7c: {  	s22 =	sadd.s32 s1, s7;
	s25 =	simm.s32 $0x6A00  }
0x7d: {  	[tilespmem:s25], [sflag:$0x2] =	stream.linear.gather [hbm4b:s22+s4], $0x1000, $0x38;
	[tilespmem:$0x18A00] =	vst v63  }
0x7e: {  	s10 =	sadd.s32 s2, s7;
	s11 =	simm.s32 $0xEA00  }
0x7f: {  	[tilespmem:s11], [sflag:$0x2] =	stream.linear.gather [hbm4b:s10+s4], $0x1000, $0x38;
	[tilespmem:$0x18A00] =	vst v63  }
0x80: {  	s12 =	sadd.s32 s1, s5;
	s13 =	simm.s32 $0x7A00  }
0x81: {  	[tilespmem:s13], [sflag:$0x2] =	stream.linear.gather [hbm4b:s12+s4], $0x1000, $0x38;
	[tilespmem:$0x18A00] =	vst v63  }
0x82: {  	s16 =	sadd.s32 s2, s5;
	s17 =	simm.s32 $0xFA00;
	s5 =	sshll.u32 s6, $0x8  }
0x83: {  	[tilespmem:s17], [sflag:$0x2] =	stream.linear.gather [hbm4b:s16+s4], $0x1000, $0x38;
	[tilespmem:$0x18A00] =	vst v63  }
0x84: {  	s18 =	sadd.s32 $0xFFFFFFFE, s5;
	_ =	swait.ge [sflag:s14], $0x4000  }
0x85: {  	s19 =	sadd.s32 $0x2, s18;
	[sflag:s14] =	ssyncset.done $0x0  }
0x86: {  	v0 =	vmov s19;
	[sflag:s14] =	ssyncadd.s32 $0xFFFFC000  }
0x87: {  	v0 =	vand.u32 $0xFFFFFFFE, v0;
	_ =	swait.ge [sflag:s14], $0x4000  }
0x88: {  	v0 =	vbroadcast v0, $0x0;
	[sflag:s14] =	ssyncset.done $0x0  }
0x89: {  	s7 =	simm.s32 @p1 $0x3;
	[sflag:s14] =	ssyncadd.s32 $0xFFFFC000  }
0x8a: {  	_ =	swait.ge @p1 [sflag:s7], $0x4000  }
0x8b: {  	[sflag:s7] =	ssyncset.done @p1 $0x0  }
0x8c: {  	s16 =	simm.s32 $0xA80;
	[sflag:s7] =	ssyncadd.s32 @p1 $0xFFFFC000  }
0x8d: {  	v1 =	vld [tilespmem:s16+$0xFFFFFF80]  }
0x8e: {  	v12 =	vld.idx.msk [tilespmem:v0+s3+$0x0], $0xffff  }
0x8f: {  	s25 =	simm.s32 $0x8A80;
	v13 =	vld.idx.msk [tilespmem:v0+s24+$0x0], $0xffff  }
0x90: {  	v0 =	vld [tilespmem:s25+$0xFFFFFF80];
	_ =	sdelay $0x4  }
0x91: {  	v1 =	vmul.f32 v1, v12;
	v0 =	vmul.f32 v0, v13;
	_ =	sdelay $0x1  }
0x92: {  	v0 =	vadd.f32 v0, v1  }
0x93: {  	s7 =	simm.s32 $0x10A80  }
0x94: {  	[tilespmem:s7+$0xFFFFFF80] =	vst v0  }
0x95: {  	s8 =	sadd.s32 $0x3, s18;
	v0 =	vld [tilespmem:s16+$0xFFFFFF90]  }
0x96: {  	v1 =	vmov s8;
	v2 =	vld [tilespmem:s25+$0xFFFFFF90];
	_ =	sdelay $0x4  }
0x97: {  	v11 =	vld.idx.msk [tilespmem:v1+s3+$0x0], $0xffff;
	v3 =	vmul.f32 v0, v12;
	v2 =	vmul.f32 v2, v13  }
0x98: {  	v0 =	vld.idx.msk [tilespmem:v1+s24+$0x0], $0xffff  }
0x99: {  	v1 =	vld [tilespmem:s16+$0x0];
	v2 =	vadd.f32 v2, v3  }
0x9a: {  	v3 =	vld [tilespmem:s25+$0x0]  }
0x9b: {  	[tilespmem:s7+$0xFFFFFF90] =	vst v2  }
0x9c: {  	v2 =	vld [tilespmem:s16+$0xFFFFFFA0]  }
0x9d: {  	v4 =	vld [tilespmem:s25+$0xFFFFFFA0];
	_ =	sdelay $0x1  }
0x9e: {  	s20 =	sadd.s32 $0x0, s5;
	v1 =	vmul.f32 v1, v11;
	v3 =	vmul.f32 v3, v0  }
0x9f: {  	s21 =	sadd.s32 $0x2, s20  }
0xa0: {  	v1 =	vadd.f32 v3, v1;
	v3 =	vmov s21  }
0xa1: {  	v3 =	vand.u32 $0xFFFFFFFE, v3;
	v2 =	vmul.f32 v2, v12;
	v4 =	vmul.f32 v4, v13  }
0xa2: {  	s9 =	simm.s32 $0xB80;
	[tilespmem:s7+$0x0] =	vst v1;
	v1 =	vbroadcast v3, $0x0  }
0xa3: {  	v5 =	vld [tilespmem:s9+$0xFFFFFF80];
	v2 =	vadd.f32 v4, v2  }
0xa4: {  	v3 =	vld [tilespmem:s16+$0x10]  }
0xa5: {  	v4 =	vld [tilespmem:s25+$0x10];
	[tilespmem:s7+$0xFFFFFFA0] =	vst v2  }
0xa6: {  	v2 =	vld [tilespmem:s16+$0xFFFFFFB0]  }
0xa7: {  	v6 =	vld [tilespmem:s25+$0xFFFFFFB0]  }
0xa8: {  	v14 =	vld.idx.msk [tilespmem:v1+s3+$0x0], $0xffff  }
0xa9: {  	s10 =	simm.s32 $0x8B80;
	v15 =	vld.idx.msk [tilespmem:v1+s24+$0x0], $0xffff  }
0xaa: {  	v1 =	vmul.f32 v3, v11;
	v3 =	vmul.f32 v4, v0;
	v4 =	vld [tilespmem:s10+$0xFFFFFF80];
	_ =	sdelay $0x1  }
0xab: {  	v1 =	vadd.f32 v3, v1;
	v2 =	vmul.f32 v2, v12;
	v3 =	vmul.f32 v6, v13;
	_ =	sdelay $0x1  }
0xac: {  	[tilespmem:s7+$0x10] =	vst v1;
	v1 =	vadd.f32 v3, v2  }
0xad: {  	v2 =	vld [tilespmem:s16+$0x20];
	v3 =	vmul.f32 v5, v14;
	v4 =	vmul.f32 v4, v15  }
0xae: {  	s8 =	sadd.s32 $0x3, s20;
	v5 =	vld [tilespmem:s25+$0x20];
	[tilespmem:s7+$0xFFFFFFB0] =	vst v1  }
0xaf: {  	v1 =	vmov s8;
	v3 =	vadd.f32 v4, v3;
	v4 =	vld [tilespmem:s16+$0xFFFFFFC0]  }
0xb0: {  	s8 =	simm.s32 $0x10B80;
	v6 =	vld [tilespmem:s25+$0xFFFFFFC0]  }
0xb1: {  	[tilespmem:s8+$0xFFFFFF80] =	vst v3  }
0xb2: {  	v3 =	vld [tilespmem:s9+$0xFFFFFF90]  }
0xb3: {  	v7 =	vmul.f32 v2, v11;
	v5 =	vmul.f32 v5, v0;
	v8 =	vld [tilespmem:s10+$0xFFFFFF90]  }
0xb4: {  	v2 =	vld.idx.msk [tilespmem:v1+s3+$0x0], $0xffff  }
0xb5: {  	v5 =	vadd.f32 v5, v7;
	v1 =	vld.idx.msk [tilespmem:v1+s24+$0x0], $0xffff;
	v4 =	vmul.f32 v4, v12;
	v6 =	vmul.f32 v6, v13  }
0xb6: {  	v7 =	vld [tilespmem:s9+$0x0]  }
0xb7: {  	[tilespmem:s7+$0x20] =	vst v5;
	v5 =	vld [tilespmem:s10+$0x0];
	v4 =	vadd.f32 v6, v4  }
0xb8: {  	v6 =	vld [tilespmem:s16+$0x30];
	v3 =	vmul.f32 v3, v14;
	v8 =	vmul.f32 v8, v15  }
0xb9: {  	v9 =	vld [tilespmem:s25+$0x30];
	[tilespmem:s7+$0xFFFFFFC0] =	vst v4  }
0xba: {  	v3 =	vadd.f32 v8, v3;
	v4 =	vld [tilespmem:s16+$0xFFFFFFD0]  }
0xbb: {  	v8 =	vld [tilespmem:s25+$0xFFFFFFD0]  }
0xbc: {  	v7 =	vmul.f32 v7, v2;
	v5 =	vmul.f32 v5, v1;
	[tilespmem:s8+$0xFFFFFF90] =	vst v3  }
0xbd: {  	v3 =	vld [tilespmem:s9+$0xFFFFFFA0]  }
0xbe: {  	v6 =	vmul.f32 v6, v11;
	v5 =	vadd.f32 v5, v7;
	v7 =	vmul.f32 v9, v0;
	v9 =	vld [tilespmem:s10+$0xFFFFFFA0];
	_ =	sdelay $0x1  }
0xbf: {  	s11 =	simm.s32 $0xC80;
	s12 =	sadd.s32 $0x2, s5;
	s17 =	sadd.s32 $0x4, s5;
	[tilespmem:s8+$0x0] =	vst v5;
	v5 =	vadd.f32 v7, v6;
	v4 =	vmul.f32 v4, v12;
	v6 =	vmul.f32 v8, v13  }
0xc0: {  	s22 =	sadd.s32 $0x2, s12;
	s18 =	sadd.s32 $0x2, s17;
	v17 =	vld [tilespmem:s11+$0xFFFFFF80]  }
0xc1: {  	v40 =	vmov s18;
	v7 =	vld [tilespmem:s9+$0x10];
	[tilespmem:s7+$0x30] =	vst v5;
	v5 =	vmov s22;
	v4 =	vadd.f32 v6, v4  }
0xc2: {  	s18 =	simm.s32 $0xD80;
	v8 =	vld [tilespmem:s10+$0x10];
	v3 =	vmul.f32 v3, v14;
	v5 =	vand.u32 $0xFFFFFFFE, v5;
	v6 =	vmul.f32 v9, v15  }
0xc3: {  	v26 =	vld [tilespmem:s18+$0xFFFFFF80];
	v5 =	vbroadcast v5, $0x0  }
0xc4: {  	v10 =	vld [tilespmem:s16+$0x40];
	[tilespmem:s7+$0xFFFFFFD0] =	vst v4;
	v3 =	vadd.f32 v6, v3  }
0xc5: {  	v6 =	vld [tilespmem:s16+$0xFFFFFFE0]  }
0xc6: {  	v16 =	vld [tilespmem:s25+$0xFFFFFFE0];
	[tilespmem:s8+$0xFFFFFFA0] =	vst v3  }
0xc7: {  	v4 =	vmul.f32 v8, v1;
	v3 =	vmul.f32 v7, v2;
	v7 =	vld [tilespmem:s9+$0xFFFFFFB0]  }
0xc8: {  	v8 =	vld [tilespmem:s10+$0xFFFFFFB0]  }
0xc9: {  	s12 =	sadd.s32 $0x3, s12;
	v18 =	vadd.f32 v4, v3;
	v3 =	vld.idx.msk [tilespmem:v5+s3+$0x0], $0xffff  }
0xca: {  	v19 =	vmov s12;
	s12 =	simm.s32 $0x8C80;
	v4 =	vld.idx.msk [tilespmem:v5+s24+$0x0], $0xffff  }
0xcb: {  	[tilespmem:s8+$0x10] =	vst v18;
	v18 =	vld [tilespmem:s12+$0xFFFFFF80]  }
0xcc: {  	v20 =	vld [tilespmem:s9+$0x20]  }
0xcd: {  	v21 =	vld [tilespmem:s10+$0x20]  }
0xce: {  	v9 =	vld [tilespmem:s25+$0x40];
	v7 =	vmul.f32 v7, v14;
	v8 =	vmul.f32 v8, v15  }
0xcf: {  	v5 =	vld.idx.msk [tilespmem:v19+s3+$0x0], $0xffff;
	v22 =	vmul.f32 v6, v12;
	v16 =	vmul.f32 v16, v13  }
0xd0: {  	v6 =	vld.idx.msk [tilespmem:v19+s24+$0x0], $0xffff;
	v7 =	vadd.f32 v8, v7;
	v17 =	vmul.f32 v17, v3;
	v18 =	vmul.f32 v18, v4  }
0xd1: {  	v16 =	vadd.f32 v16, v22;
	v8 =	vld [tilespmem:s11+$0x0]  }
0xd2: {  	v19 =	vld [tilespmem:s12+$0x0];
	[tilespmem:s8+$0xFFFFFFB0] =	vst v7;
	v7 =	vmul.f32 v20, v2;
	v20 =	vmul.f32 v21, v1;
	v17 =	vadd.f32 v18, v17  }
0xd3: {  	s13 =	simm.s32 $0x10C80;
	[tilespmem:s7+$0xFFFFFFE0] =	vst v16;
	v18 =	vld [tilespmem:s9+$0xFFFFFFC0]  }
0xd4: {  	v10 =	vmul.f32 v10, v11;
	v9 =	vmul.f32 v9, v0;
	v16 =	vld [tilespmem:s10+$0xFFFFFFC0];
	v7 =	vadd.f32 v20, v7;
	[tilespmem:s13+$0xFFFFFF80] =	vst v17  }
0xd5: {  	v17 =	vld [tilespmem:s11+$0xFFFFFF90]  }
0xd6: {  	v9 =	vadd.f32 v9, v10;
	[tilespmem:s8+$0x20] =	vst v7;
	v7 =	vmul.f32 v8, v5;
	v8 =	vld [tilespmem:s12+$0xFFFFFF90]  }
0xd7: {  	v10 =	vmul.f32 v19, v6;
	v19 =	vld [tilespmem:s9+$0x30]  }
0xd8: {  	[tilespmem:s7+$0x40] =	vst v9;
	v9 =	vld [tilespmem:s10+$0x30]  }
0xd9: {  	v38 =	vld [tilespmem:s25+$0x50];
	v7 =	vadd.f32 v10, v7;
	v10 =	vmul.f32 v18, v14;
	v16 =	vmul.f32 v16, v15  }
0xda: {  	s19 =	simm.s32 $0x8D80;
	v18 =	vld [tilespmem:s16+$0x50]  }
0xdb: {  	v43 =	vld [tilespmem:s19+$0xFFFFFF80];
	[tilespmem:s13+$0x0] =	vst v7;
	v7 =	vadd.f32 v16, v10;
	v10 =	vmul.f32 v17, v3;
	v8 =	vmul.f32 v8, v4  }
0xdc: {  	v16 =	vld [tilespmem:s11+$0x10]  }
0xdd: {  	v17 =	vld [tilespmem:s12+$0x10];
	[tilespmem:s8+$0xFFFFFFC0] =	vst v7;
	v7 =	vmul.f32 v19, v2;
	v9 =	vmul.f32 v9, v1;
	v8 =	vadd.f32 v8, v10  }
0xde: {  	v10 =	vld [tilespmem:s9+$0xFFFFFFD0]  }
0xdf: {  	v19 =	vld [tilespmem:s10+$0xFFFFFFD0];
	v18 =	vmul.f32 v18, v11;
	v7 =	vadd.f32 v9, v7;
	v9 =	vmul.f32 v38, v0;
	[tilespmem:s13+$0xFFFFFF90] =	vst v8  }
0xe0: {  	v8 =	vld [tilespmem:s11+$0xFFFFFFA0]  }
0xe1: {  	[tilespmem:s8+$0x30] =	vst v7;
	v7 =	vadd.f32 v9, v18;
	v9 =	vld [tilespmem:s12+$0xFFFFFFA0]  }
0xe2: {  	v46 =	vld [tilespmem:s18+$0x0];
	v16 =	vmul.f32 v16, v5;
	v17 =	vmul.f32 v17, v6  }
0xe3: {  	v50 =	vld [tilespmem:s19+$0x0]  }
0xe4: {  	v39 =	vld [tilespmem:s25+$0xFFFFFFF0];
	[tilespmem:s7+$0x50] =	vst v7;
	v7 =	vadd.f32 v17, v16;
	v10 =	vmul.f32 v10, v14;
	v16 =	vmul.f32 v19, v15  }
0xe5: {  	v18 =	vld [tilespmem:s9+$0x40]  }
0xe6: {  	v17 =	vld [tilespmem:s10+$0x40];
	[tilespmem:s13+$0x10] =	vst v7;
	v7 =	vadd.f32 v16, v10;
	v8 =	vmul.f32 v8, v3;
	v9 =	vmul.f32 v9, v4  }
0xe7: {  	v10 =	vand.u32 $0xFFFFFFFE, v40;
	v41 =	vld [tilespmem:s11+$0x20]  }
0xe8: {  	v10 =	vbroadcast v10, $0x0;
	v23 =	vld [tilespmem:s12+$0x20];
	[tilespmem:s8+$0xFFFFFFD0] =	vst v7;
	v7 =	vadd.f32 v9, v8  }
0xe9: {  	v24 =	vld [tilespmem:s9+$0xFFFFFFE0]  }
0xea: {  	v25 =	vld [tilespmem:s10+$0xFFFFFFE0];
	[tilespmem:s13+$0xFFFFFFA0] =	vst v7  }
0xeb: {  	v28 =	vld [tilespmem:s11+$0xFFFFFFB0]  }
0xec: {  	s17 =	sadd.s32 $0x3, s17;
	v29 =	vld [tilespmem:s12+$0xFFFFFFB0]  }
0xed: {  	v27 =	vmov s17;
	v20 =	vld [tilespmem:s16+$0xFFFFFFF0]  }
0xee: {  	v18 =	vmul.f32 v18, v2;
	v17 =	vmul.f32 v17, v1;
	v8 =	vld.idx.msk [tilespmem:v10+s3+$0x0], $0xffff  }
0xef: {  	v21 =	vmul.f32 v41, v5;
	v23 =	vmul.f32 v23, v6;
	v9 =	vld.idx.msk [tilespmem:v10+s24+$0x0], $0xffff  }
0xf0: {  	v19 =	vld [tilespmem:s16+$0x60];
	v10 =	vmul.f32 v24, v14;
	v42 =	vmul.f32 v25, v15  }
0xf1: {  	v16 =	vld [tilespmem:s25+$0x60];
	v21 =	vadd.f32 v23, v21;
	v44 =	vmul.f32 v28, v3;
	v45 =	vmul.f32 v29, v4  }
0xf2: {  	v7 =	vld.idx.msk [tilespmem:v27+s3+$0x0], $0xffff;
	v17 =	vadd.f32 v17, v18  }
0xf3: {  	v24 =	vadd.f32 v42, v10;
	v10 =	vld.idx.msk [tilespmem:v27+s24+$0x0], $0xffff;
	[tilespmem:s13+$0x20] =	vst v21;
	v47 =	vadd.f32 v45, v44  }
0xf4: {  	[tilespmem:s8+$0x40] =	vst v17;
	v54 =	vld [tilespmem:s11+$0x30];
	v26 =	vmul.f32 v26, v8;
	v25 =	vmul.f32 v43, v9  }
0xf5: {  	v17 =	vld [tilespmem:s12+$0x30];
	[tilespmem:s13+$0xFFFFFFB0] =	vst v47  }
0xf6: {  	v51 =	vadd.f32 v25, v26;
	v52 =	vld [tilespmem:s11+$0xFFFFFFC0]  }
0xf7: {  	s28 =	simm.s32 $0x10D80;
	[tilespmem:s8+$0xFFFFFFE0] =	vst v24;
	v53 =	vld [tilespmem:s12+$0xFFFFFFC0]  }
0xf8: {  	v48 =	vld [tilespmem:s9+$0xFFFFFFF0];
	[tilespmem:s28+$0xFFFFFF80] =	vst v51  }
0xf9: {  	v19 =	vmul.f32 v19, v11;
	v16 =	vmul.f32 v16, v0;
	v18 =	vld [tilespmem:s18+$0xFFFFFF90]  }
0xfa: {  	v55 =	vmul.f32 v46, v7;
	v23 =	vmul.f32 v50, v10;
	v56 =	vld [tilespmem:s19+$0xFFFFFF90]  }
0xfb: {  	v16 =	vadd.f32 v16, v19;
	v49 =	vld [tilespmem:s10+$0xFFFFFFF0]  }
0xfc: {  	v58 =	vld [tilespmem:s9+$0x50];
	v19 =	vadd.f32 v23, v55;
	v57 =	vmul.f32 v52, v3;
	v21 =	vmul.f32 v53, v4  }
0xfd: {  	v13 =	vmul.f32 v39, v13;
	v12 =	vmul.f32 v20, v12;
	[tilespmem:s7+$0x60] =	vst v16;
	v16 =	vld [tilespmem:s10+$0x50]  }
0xfe: {  	v20 =	vld [tilespmem:s16+$0x70];
	v61 =	vmul.f32 v54, v5;
	v17 =	vmul.f32 v17, v6;
	[tilespmem:s28+$0x0] =	vst v19;
	v19 =	vadd.f32 v21, v57  }
0xff: {  	v60 =	vld [tilespmem:s18+$0x10];
	v18 =	vmul.f32 v18, v8;
	v59 =	vmul.f32 v56, v9  }
0x100: {  	v12 =	vadd.f32 v13, v12;
	v14 =	vmul.f32 v48, v14;
	v15 =	vmul.f32 v49, v15;
	[tilespmem:s13+$0xFFFFFFC0] =	vst v19;
	v19 =	vld [tilespmem:s19+$0x10]  }
0x101: {  	v62 =	vmul.f32 v58, v2;
	v18 =	vadd.f32 v59, v18;
	v13 =	vld [tilespmem:s11+$0xFFFFFFD0]  }
0x102: {  	[tilespmem:s7+$0xFFFFFFF0] =	vst v12;
	v63 =	vmul.f32 v16, v1;
	v17 =	vadd.f32 v17, v61;
	v15 =	vadd.f32 v15, v14;
	v14 =	vld [tilespmem:s12+$0xFFFFFFD0]  }
0x103: {  	v12 =	vld [tilespmem:s25+$0x70];
	[tilespmem:s28+$0xFFFFFF90] =	vst v18  }
0x104: {  	[tilespmem:s13+$0x30] =	vst v17;
	v21 =	vadd.f32 v63, v62;
	v16 =	vld [tilespmem:s18+$0xFFFFFFA0]  }
0x105: {  	p0 =	por p1, p1;
	s17 =	simm.s32 $0x8D80;
	[tilespmem:s8+$0xFFFFFFF0] =	vst v15;
	v18 =	vmul.f32 v60, v7;
	v17 =	vld [tilespmem:s19+$0xFFFFFFA0];
	v19 =	vmul.f32 v19, v10  }
0x106: {  	s20 =	simm.s32 $0x6;
	s25 =	sshll.u32 s6, $0x1;
	s16 =	simm.s32 $0xD80;
	v11 =	vmul.f32 v20, v11;
	v15 =	vld [tilespmem:s11+$0x40];
	[tilespmem:s8+$0x50] =	vst v21  }
.LBB2_5:
0x107: {  	s21 =	sadd.s32 s20, s5;
	v18 =	vadd.f32 v19, v18;
	v13 =	vmul.f32 v13, v3;
	v14 =	vmul.f32 v14, v4;
	v19 =	vld [tilespmem:s12+$0x40]  }
0x108: {  	s22 =	sadd.s32 $0x2, s21;
	s21 =	sadd.s32 $0x3, s21;
	v20 =	vld [tilespmem:s9+$0x60];
	v12 =	vmul.f32 v12, v0;
	v0 =	vmovc v1;
	v1 =	vmov v6;
	v6 =	vmov v10  }
0x109: {  	v10 =	vmov s22;
	v21 =	vmov s21;
	[tilespmem:s28+$0x10] =	vst v18;
	v13 =	vadd.f32 v14, v13;
	v14 =	vld [tilespmem:s10+$0x60]  }
0x10a: {  	v16 =	vmul.f32 v16, v8;
	v10 =	vand.u32 $0xFFFFFFFE, v10;
	v17 =	vmul.f32 v17, v9;
	v18 =	vld [tilespmem:s18+$0x20]  }
0x10b: {  	v11 =	vadd.f32 v12, v11;
	v10 =	vbroadcast v10, $0x0;
	v22 =	vld [tilespmem:s19+$0x20];
	[tilespmem:s13+$0xFFFFFFD0] =	vst v13;
	v13 =	vmul.f32 v15, v5  }
0x10c: {  	v12 =	vadd.f32 v17, v16;
	v15 =	vld [tilespmem:s11+$0xFFFFFFE0];
	v16 =	vmul.f32 v19, v1  }
0x10d: {  	s18 =	sadd.s32 $0x100, s18;
	v17 =	vld [tilespmem:s12+$0xFFFFFFE0];
	v19 =	vmul.f32 v20, v2;
	[tilespmem:s7+$0x70] =	vst v11;
	s7 =	smov.u32 s8;
	s8 =	smov.u32 s13  }
0x10e: {  	s13 =	smov.u32 s28;
	v11 =	vld [tilespmem:s18+$0xFFFFFF80];
	[tilespmem:s28+$0xFFFFFFA0] =	vst v12;
	v12 =	vadd.f32 v16, v13;
	v13 =	vmul.f32 v14, v0  }
0x10f: {  	s20 =	sadd.s32 $0x2, s20;
	v14 =	vld [tilespmem:s16+$0xFFFFFFB0];
	v16 =	vmul.f32 v18, v7  }
0x110: {  	p1 =	slt.u32 s20, $0x7E;
	v18 =	vld [tilespmem:s19+$0xFFFFFFB0];
	v20 =	vmul.f32 v22, v6;
	[tilespmem:s8+$0x40] =	vst v12;
	v12 =	vadd.f32 v13, v19  }
0x111: {  	v13 =	vld.idx.msk [tilespmem:v10+s3+$0x0], $0xffff  }
0x112: {  	s19 =	sadd.s32 $0x100, s19;
	v15 =	vmul.f32 v15, v3;
	v19 =	vld.idx.msk [tilespmem:v10+s24+$0x0], $0xffff;
	v10 =	vadd.f32 v20, v16;
	v16 =	vmul.f32 v17, v4  }
0x113: {  	v17 =	vld [tilespmem:s19+$0xFFFFFF80];
	[tilespmem:s7+$0x60] =	vst v12  }
0x114: {  	v20 =	vld.idx.msk [tilespmem:v21+s3+$0x0], $0xffff;
	[tilespmem:s28+$0x20] =	vst v10;
	v12 =	vadd.f32 v16, v15  }
0x115: {  	v14 =	vmul.f32 v14, v8;
	v10 =	vld.idx.msk [tilespmem:v21+s24+$0x0], $0xffff;
	v15 =	vmul.f32 v18, v9  }
0x116: {  	v16 =	vld [tilespmem:s18+$0x0];
	[tilespmem:s8+$0xFFFFFFE0] =	vst v12  }
0x117: {  	v12 =	vadd.f32 v15, v14;
	v14 =	vld [tilespmem:s11+$0xFFFFFFF0]  }
0x118: {  	v11 =	vmul.f32 v11, v13;
	v15 =	vmul.f32 v17, v19;
	v17 =	vld [tilespmem:s12+$0xFFFFFFF0]  }
0x119: {  	v18 =	vld [tilespmem:s19+$0x0];
	[tilespmem:s28+$0xFFFFFFB0] =	vst v12  }
0x11a: {  	v11 =	vadd.f32 v15, v11;
	v12 =	vld [tilespmem:s16+$0xFFFFFFC0]  }
0x11b: {  	s28 =	sadd.s32 $0x100, s28;
	v15 =	vmul.f32 v16, v20;
	v16 =	vld [tilespmem:s17+$0xFFFFFFC0]  }
0x11c: {  	[tilespmem:s28+$0xFFFFFF80] =	vst v11;
	v11 =	vld [tilespmem:s16+$0x30]  }
0x11d: {  	v14 =	vmul.f32 v14, v3;
	v3 =	vmovc v8;
	v8 =	vmovc v13;
	v21 =	vld [tilespmem:s18+$0xFFFFFF90];
	v17 =	vmul.f32 v17, v4;
	v4 =	vmov v9  }
0x11e: {  	v9 =	vmov v19;
	v13 =	vld [tilespmem:s19+$0xFFFFFF90];
	v18 =	vmul.f32 v18, v10  }
0x11f: {  	v19 =	vld [tilespmem:s17+$0x30];
	v14 =	vadd.f32 v17, v14  }
0x120: {  	v12 =	vmul.f32 v12, v3;
	v15 =	vadd.f32 v18, v15;
	v16 =	vmul.f32 v16, v4;
	v17 =	vld [tilespmem:s11+$0x50]  }
0x121: {  	v11 =	vmul.f32 v11, v7;
	[tilespmem:s8+$0xFFFFFFF0] =	vst v14;
	v18 =	vld [tilespmem:s12+$0x50]  }
0x122: {  	[tilespmem:s28+$0x0] =	vst v15;
	v12 =	vadd.f32 v16, v12;
	v15 =	vld [tilespmem:s9+$0x70];
	s9 =	smov.u32 s11;
	s11 =	smov.u32 s16;
	s16 =	smov.u32 s18  }
0x123: {  	v14 =	vmul.f32 v21, v8;
	v13 =	vmul.f32 v13, v9;
	v21 =	vld [tilespmem:s18+$0x10]  }
0x124: {  	v22 =	vld [tilespmem:s19+$0x10];
	[tilespmem:s13+$0xFFFFFFC0] =	vst v12;
	v12 =	vmul.f32 v19, v6  }
0x125: {  	v16 =	vadd.f32 v13, v14;
	v13 =	vld [tilespmem:s11+$0xFFFFFFD0];
	v17 =	vmul.f32 v17, v5  }
.Ltmp1:
0x126: {  	v14 =	vld [tilespmem:s17+$0xFFFFFFD0];
	v19 =	vadd.f32 v12, v11;
	v23 =	vmul.f32 v18, v1;
	(pc) =	sbr.rel @p1 .LBB2_5-.Ltmp1, $4  }
0x127: {  	[tilespmem:s28+$0xFFFFFF90] =	vst v16;
	v11 =	vmul.f32 v15, v2;
	v12 =	vld [tilespmem:s10+$0x70];
	v2 =	vmovc v5;
	v5 =	vmov v7;
	v7 =	vmov v20;
	s10 =	smov.u32 s12;
	s12 =	smov.u32 s17;
	s17 =	smov.u32 s19  }
0x128: {  	v16 =	vld [tilespmem:s18+$0xFFFFFFA0];
	v18 =	vmul.f32 v21, v7;
	[tilespmem:s13+$0x30] =	vst v19;
	v20 =	vadd.f32 v23, v17  }
0x129: {  	v17 =	vld [tilespmem:s19+$0xFFFFFFA0];
	v19 =	vmul.f32 v22, v10  }
0x12a: {  	v15 =	vld [tilespmem:s11+$0x40];
	[tilespmem:s8+$0x50] =	vst v20  }
0x12b: {  	v18 =	vadd.f32 v19, v18;
	_ =	sdelay $0x1  }
0x12c: {  	[tilespmem:s28+$0x10] =	vst v18  }
0x12d: {  	v18 =	vld [tilespmem:s18+$0x20]  }
0x12e: {  	v54 =	vld [tilespmem:s19+$0x20];
	_ =	sdelay $0x2  }
0x12f: {  	v16 =	vmul.f32 v16, v8;
	v17 =	vmul.f32 v17, v9;
	_ =	sdelay $0x1  }
0x130: {  	v16 =	vadd.f32 v17, v16;
	v55 =	vmul.f32 v18, v7;
	v56 =	vmul.f32 v54, v10;
	_ =	sdelay $0x1  }
0x131: {  	[tilespmem:s28+$0xFFFFFFA0] =	vst v16;
	v57 =	vadd.f32 v56, v55  }
0x132: {  	v58 =	vld [tilespmem:s19+$0xFFFFFFB0]  }
0x133: {  	v59 =	vld [tilespmem:s16+$0xFFFFFFB0];
	[tilespmem:s28+$0x20] =	vst v57  }
0x134: {  	v16 =	vld [tilespmem:s16+$0x30]  }
0x135: {  	v60 =	vld [tilespmem:s17+$0x30];
	_ =	sdelay $0x2  }
0x136: {  	v18 =	vmul.f32 v59, v8;
	v17 =	vmul.f32 v58, v9;
	_ =	sdelay $0x1  }
0x137: {  	v17 =	vadd.f32 v17, v18;
	v16 =	vmul.f32 v16, v7;
	v61 =	vmul.f32 v60, v10  }
0x138: {  	v62 =	vld [tilespmem:s12+$0x40]  }
0x139: {  	[tilespmem:s28+$0xFFFFFFB0] =	vst v17;
	v16 =	vadd.f32 v61, v16  }
0x13a: {  	v17 =	vld [tilespmem:s16+$0xFFFFFFC0]  }
0x13b: {  	v63 =	vld [tilespmem:s17+$0xFFFFFFC0];
	[tilespmem:s28+$0x30] =	vst v16  }
0x13c: {  	v16 =	vld [tilespmem:s16+$0x40]  }
0x13d: {  	v15 =	vmul.f32 v15, v5;
	v19 =	vmul.f32 v62, v6;
	v20 =	vld [tilespmem:s17+$0x40];
	_ =	sdelay $0x1  }
0x13e: {  	v15 =	vadd.f32 v19, v15  }
0x13f: {  	v17 =	vmul.f32 v17, v8;
	v18 =	vmul.f32 v63, v9  }
0x140: {  	[tilespmem:s13+$0x40] =	vst v15  }
0x141: {  	v15 =	vld [tilespmem:s11+$0x50];
	v17 =	vadd.f32 v18, v17;
	v16 =	vmul.f32 v16, v7;
	v24 =	vmul.f32 v20, v10  }
0x142: {  	v25 =	vld [tilespmem:s12+$0x50]  }
0x143: {  	[tilespmem:s28+$0xFFFFFFC0] =	vst v17;
	v16 =	vadd.f32 v24, v16  }
0x144: {  	v17 =	vld [tilespmem:s16+$0xFFFFFFD0]  }
0x145: {  	v13 =	vmul.f32 v13, v3;
	v14 =	vmul.f32 v14, v4;
	v26 =	vld [tilespmem:s17+$0xFFFFFFD0];
	[tilespmem:s28+$0x40] =	vst v16  }
0x146: {  	v16 =	vld [tilespmem:s16+$0x50]  }
0x147: {  	v13 =	vadd.f32 v14, v13;
	v27 =	vmul.f32 v15, v5;
	v28 =	vmul.f32 v25, v6;
	v29 =	vld [tilespmem:s17+$0x50]  }
0x148: {  	v30 =	vld [tilespmem:s9+$0x60]  }
0x149: {  	v21 =	vld [tilespmem:s10+$0x60];
	[tilespmem:s13+$0xFFFFFFD0] =	vst v13;
	v31 =	vadd.f32 v28, v27  }
0x14a: {  	v32 =	vld [tilespmem:s11+$0xFFFFFFE0];
	v33 =	vmul.f32 v17, v8;
	v34 =	vmul.f32 v26, v9  }
0x14b: {  	v35 =	vld [tilespmem:s12+$0xFFFFFFE0];
	[tilespmem:s13+$0x50] =	vst v31  }
0x14c: {  	v13 =	vld [tilespmem:s11+$0x60];
	v15 =	vadd.f32 v34, v33;
	v16 =	vmul.f32 v16, v7;
	v36 =	vmul.f32 v29, v10  }
0x14d: {  	v37 =	vld [tilespmem:s12+$0x60]  }
0x14e: {  	[tilespmem:s28+$0xFFFFFFD0] =	vst v15;
	v38 =	vadd.f32 v36, v16  }
0x14f: {  	v39 =	vmul.f32 v30, v2;
	v40 =	vmul.f32 v21, v1;
	v41 =	vld [tilespmem:s16+$0xFFFFFFE0]  }
0x150: {  	v14 =	vmul.f32 v32, v3;
	v44 =	vmul.f32 v35, v4;
	v42 =	vld [tilespmem:s17+$0xFFFFFFE0];
	[tilespmem:s28+$0x50] =	vst v38  }
0x151: {  	v43 =	vadd.f32 v40, v39;
	v45 =	vld [tilespmem:s16+$0x60]  }
0x152: {  	v14 =	vadd.f32 v44, v14;
	v13 =	vmul.f32 v13, v5;
	v46 =	vmul.f32 v37, v6;
	v47 =	vld [tilespmem:s17+$0x60]  }
0x153: {  	[tilespmem:s8+$0x60] =	vst v43  }
0x154: {  	v48 =	vld [tilespmem:s10+$0x70];
	[tilespmem:s13+$0xFFFFFFE0] =	vst v14;
	v13 =	vadd.f32 v46, v13  }
0x155: {  	v51 =	vld [tilespmem:s11+$0xFFFFFFF0];
	v49 =	vmul.f32 v41, v8;
	v50 =	vmul.f32 v42, v9  }
0x156: {  	v53 =	vld [tilespmem:s12+$0xFFFFFFF0];
	[tilespmem:s13+$0x60] =	vst v13  }
0x157: {  	v13 =	vld [tilespmem:s11+$0x70];
	v14 =	vadd.f32 v50, v49;
	v17 =	vmul.f32 v45, v7;
	v52 =	vmul.f32 v47, v10  }
0x158: {  	v54 =	vld [tilespmem:s12+$0x70]  }
0x159: {  	v15 =	vld [tilespmem:s9+$0x70];
	[tilespmem:s28+$0xFFFFFFE0] =	vst v14;
	v55 =	vadd.f32 v52, v17  }
0x15a: {  	v56 =	vld [tilespmem:s16+$0xFFFFFFF0]  }
0x15b: {  	v57 =	vld [tilespmem:s17+$0xFFFFFFF0];
	[tilespmem:s28+$0x60] =	vst v55  }
0x15c: {  	v14 =	vld [tilespmem:s16+$0x70]  }
0x15d: {  	v0 =	vmul.f32 v12, v0;
	v22 =	vld [tilespmem:s17+$0x70]  }
0x15e: {  	v1 =	vmul.f32 v48, v1;
	v2 =	vmul.f32 v15, v2  }
0x15f: {  	v0 =	vadd.f32 v0, v11;
	v3 =	vmul.f32 v51, v3;
	v4 =	vmul.f32 v53, v4  }
0x160: {  	v1 =	vadd.f32 v1, v2;
	v2 =	vmul.f32 v56, v8;
	v8 =	vmul.f32 v57, v9  }
0x161: {  	[tilespmem:s7+$0x70] =	vst v0;
	v0 =	vadd.f32 v4, v3;
	v3 =	vmul.f32 v13, v5;
	v4 =	vmul.f32 v54, v6  }
0x162: {  	[tilespmem:s8+$0x70] =	vst v1;
	v1 =	vadd.f32 v8, v2;
	v2 =	vmul.f32 v14, v7;
	v5 =	vmul.f32 v22, v10  }
0x163: {  	[tilespmem:s13+$0xFFFFFFF0] =	vst v0;
	v0 =	vadd.f32 v4, v3  }
0x164: {  	[tilespmem:s28+$0xFFFFFFF0] =	vst v1;
	v1 =	vadd.f32 v5, v2  }
0x165: {  	s6 =	sshll.u32 s6, $0xC;
	[tilespmem:s13+$0x70] =	vst v0  }
0x166: {  	s21 =	simm.s32 $0x10A00;
	s6 =	sadd.s32 s6, s15;
	[tilespmem:s28+$0x70] =	vst v1  }
0x167: {  	[hbm4b:s6+s4] =	stream.linear.scatter [tilespmem:s21], [sflag:$0x3], $0x4000, $0x38;
	[tilespmem:$0x18A00] =	vst v63  }
0x168: {  	s7 =	simm.s32 @!p0 $0xA00;
	s6 =	simm.s32 @!p0 $0x0;
	s8 =	rddreg [dreg:$0x10]  }
0x169: {  	[tilespmem:s7], [sflag:$0x1] =	stream.linear.gather @!p0 [hbm4b:s8+s6], $0x1000, $0x38;
	[tilespmem:$0x18A00] =	vst v63  }
0x16a: {  	s7 =	simm.s32 @!p0 $0x8A00;
	s8 =	rddreg [dreg:$0x11]  }
0x16b: {  	[tilespmem:s7], [sflag:$0x1] =	stream.linear.gather @!p0 [hbm4b:s8+s6], $0x1000, $0x38;
	[tilespmem:$0x18A00] =	vst v63  }
0x16c: {  	s7 =	simm.s32 @!p0 $0x1A00;
	s8 =	rddreg [dreg:$0x12]  }
0x16d: {  	[tilespmem:s7], [sflag:$0x1] =	stream.linear.gather @!p0 [hbm4b:s8+s6], $0x1000, $0x38;
	[tilespmem:$0x18A00] =	vst v63  }
0x16e: {  	s7 =	simm.s32 @!p0 $0x9A00;
	s8 =	rddreg [dreg:$0x13]  }
0x16f: {  	[tilespmem:s7], [sflag:$0x1] =	stream.linear.gather @!p0 [hbm4b:s8+s6], $0x1000, $0x38;
	[tilespmem:$0x18A00] =	vst v63  }
0x170: {  	s7 =	simm.s32 @!p0 $0x2A00;
	s8 =	rddreg [dreg:$0x14]  }
0x171: {  	[tilespmem:s7], [sflag:$0x1] =	stream.linear.gather @!p0 [hbm4b:s8+s6], $0x1000, $0x38;
	[tilespmem:$0x18A00] =	vst v63  }
0x172: {  	s7 =	simm.s32 @!p0 $0xAA00;
	s8 =	rddreg [dreg:$0x15]  }
0x173: {  	[tilespmem:s7], [sflag:$0x1] =	stream.linear.gather @!p0 [hbm4b:s8+s6], $0x1000, $0x38;
	[tilespmem:$0x18A00] =	vst v63  }
0x174: {  	s7 =	simm.s32 @!p0 $0x3A00;
	s8 =	rddreg [dreg:$0x16]  }
0x175: {  	[tilespmem:s7], [sflag:$0x1] =	stream.linear.gather @!p0 [hbm4b:s8+s6], $0x1000, $0x38;
	[tilespmem:$0x18A00] =	vst v63  }
0x176: {  	s7 =	simm.s32 @!p0 $0xBA00  }
0x177: {  	[tilespmem:s7], [sflag:$0x1] =	stream.linear.gather @!p0 [hbm4b:s23+s6], $0x1000, $0x38;
	[tilespmem:$0x18A00] =	vst v63  }
0x178: {  	s22 =	sadd.s32 $0xFFFFFFFE, s5;
	_ =	swait.ge [sflag:s26], $0x4000  }
0x179: {  	s28 =	sadd.s32 $0x82, s22;
	[sflag:s26] =	ssyncset.done $0x0  }
0x17a: {  	v0 =	vmov s28;
	[sflag:s26] =	ssyncadd.s32 $0xFFFFC000  }
0x17b: {  	v0 =	vand.u32 $0xFFFFFFFE, v0;
	_ =	swait.ge [sflag:s26], $0x4000  }
0x17c: {  	v0 =	vbroadcast v0, $0x0;
	[sflag:s26] =	ssyncset.done $0x0  }
0x17d: {  	s6 =	simm.s32 @p0 $0x4;
	[sflag:s26] =	ssyncadd.s32 $0xFFFFC000  }
0x17e: {  	_ =	swait.ge @p0 [sflag:s6], $0x4000  }
0x17f: {  	[sflag:s6] =	ssyncset.done @p0 $0x0  }
0x180: {  	[sflag:s6] =	ssyncadd.s32 @p0 $0xFFFFC000;
	s6 =	simm.s32 $0x0  }
0x181: {  	v1 =	vld [tilespmem:s6+$0x4A70]  }
0x182: {  	v2 =	vld.idx.msk [tilespmem:v0+s3+$0x0], $0xffff  }
0x183: {  	v3 =	vld.idx.msk [tilespmem:v0+s24+$0x0], $0xffff  }
0x184: {  	v0 =	vld [tilespmem:s6+$0xCA70]  }
0x185: {  	v4 =	vld [tilespmem:s6+$0x4A00]  }
0x186: {  	v5 =	vld [tilespmem:s6+$0xCA00]  }
0x187: {  	v6 =	vld [tilespmem:s6+$0x4A10]  }
0x188: {  	v7 =	vld [tilespmem:s6+$0xCA10]  }
0x189: {  	v8 =	vld [tilespmem:s6+$0x4A20]  }
0x18a: {  	s7 =	sadd.s32 $0x83, s22;
	v9 =	vld [tilespmem:s6+$0xCA20]  }
0x18b: {  	v10 =	vmov s7;
	v11 =	vld [tilespmem:s6+$0x4A30];
	v1 =	vmul.f32 v1, v2;
	v0 =	vmul.f32 v0, v3  }
0x18c: {  	v58 =	vld [tilespmem:s6+$0xCA30];
	v4 =	vmul.f32 v4, v2;
	v5 =	vmul.f32 v5, v3  }
0x18d: {  	v59 =	vld [tilespmem:s6+$0x4A40]  }
0x18e: {  	v0 =	vadd.f32 v0, v1;
	v1 =	vadd.f32 v5, v4;
	v4 =	vmul.f32 v6, v2;
	v6 =	vld [tilespmem:s6+$0xCA40]  }
0x18f: {  	v5 =	vmul.f32 v7, v3;
	v7 =	vld [tilespmem:s6+$0xCA50]  }
0x190: {  	[tilespmem:s6+$0x14A70] =	vst v0;
	v0 =	vld.idx.msk [tilespmem:v10+s3+$0x0], $0xffff  }
0x191: {  	v4 =	vadd.f32 v5, v4;
	v5 =	vld [tilespmem:s6+$0x4A50]  }
0x192: {  	[tilespmem:s6+$0x14A00] =	vst v1;
	v1 =	vld.idx.msk [tilespmem:v10+s24+$0x0], $0xffff  }
0x193: {  	v10 =	vld [tilespmem:s6+$0xCA60]  }
0x194: {  	[tilespmem:s6+$0x14A10] =	vst v4;
	v4 =	vld [tilespmem:s6+$0x4A60]  }
0x195: {  	v60 =	vld [tilespmem:s6+$0x4A80];
	v8 =	vmul.f32 v8, v2;
	v9 =	vmul.f32 v9, v3  }
0x196: {  	v61 =	vld [tilespmem:s6+$0xCA80];
	v11 =	vmul.f32 v11, v2;
	v12 =	vmul.f32 v58, v3  }
0x197: {  	v62 =	vld [tilespmem:s6+$0x4A90];
	v8 =	vadd.f32 v9, v8;
	v9 =	vmul.f32 v59, v2;
	v6 =	vmul.f32 v6, v3  }
0x198: {  	v63 =	vld [tilespmem:s6+$0xCA90];
	v11 =	vadd.f32 v12, v11;
	v7 =	vmul.f32 v7, v3;
	v5 =	vmul.f32 v5, v2  }
0x199: {  	[tilespmem:s6+$0x14A20] =	vst v8;
	v8 =	vadd.f32 v6, v9;
	v3 =	vmul.f32 v10, v3;
	v6 =	vld [tilespmem:s6+$0x4AA0];
	v2 =	vmul.f32 v4, v2  }
0x19a: {  	[tilespmem:s6+$0x14A30] =	vst v11;
	v5 =	vadd.f32 v7, v5;
	v4 =	vld [tilespmem:s6+$0xCAA0]  }
0x19b: {  	v10 =	vmul.f32 v61, v1;
	[tilespmem:s6+$0x14A40] =	vst v8;
	v8 =	vmul.f32 v60, v0;
	v9 =	vadd.f32 v3, v2;
	v3 =	vld [tilespmem:s6+$0x4AB0]  }
0x19c: {  	[tilespmem:s6+$0x14A50] =	vst v5;
	v2 =	vld [tilespmem:s6+$0xCAB0]  }
0x19d: {  	s9 =	simm.s32 $0x0;
	s8 =	simm.s32 $0x0;
	s7 =	sor.u32 $0x1, s25;
	v7 =	vmul.f32 v62, v0;
	v8 =	vadd.f32 v10, v8;
	v5 =	vld [tilespmem:s6+$0x4AC0];
	[tilespmem:s6+$0x14A60] =	vst v9;
	v9 =	vmul.f32 v63, v1  }
.LBB2_7:
0x19e: {  	s10 =	sadd.s32 s9, s5;
	v6 =	vmul.f32 v6, v0;
	v10 =	vld [tilespmem:s6+$0xCAC0]  }
0x19f: {  	s9 =	sadd.s32 $0x2, s9;
	s11 =	sadd.s32 $0x82, s10;
	s10 =	sadd.s32 $0x83, s10;
	[tilespmem:s6+$0x14A80] =	vst v8;
	v7 =	vadd.f32 v9, v7;
	v4 =	vmul.f32 v4, v1;
	v8 =	vld [tilespmem:s6+$0x4AD0]  }
0x1a0: {  	p1 =	slt.u32 s9, $0x7E;
	v9 =	vmov s11;
	v11 =	vmov s10;
	v3 =	vmul.f32 v3, v0;
	v12 =	vld [tilespmem:s6+$0xCAD0]  }
0x1a1: {  	v9 =	vand.u32 $0xFFFFFFFE, v9;
	[tilespmem:s6+$0x14A90] =	vst v7;
	v4 =	vadd.f32 v4, v6;
	v2 =	vmul.f32 v2, v1;
	v6 =	vld [tilespmem:s6+$0x4AE0]  }
0x1a2: {  	v7 =	vbroadcast v9, $0x0;
	v5 =	vmul.f32 v5, v0;
	v9 =	vld [tilespmem:s6+$0xCAE0]  }
0x1a3: {  	[tilespmem:s6+$0x14AA0] =	vst v4;
	v2 =	vadd.f32 v2, v3;
	v3 =	vmul.f32 v10, v1;
	v4 =	vld [tilespmem:s6+$0x4AF0]  }
0x1a4: {  	v8 =	vmul.f32 v8, v0;
	v10 =	vld [tilespmem:s6+$0xCAF0]  }
0x1a5: {  	s8 =	sadd.s32 $0x400, s8;
	v13 =	vld.idx.msk [tilespmem:v11+s3+$0x0], $0xffff;
	[tilespmem:s6+$0x14AB0] =	vst v2;
	v2 =	vadd.f32 v3, v5;
	v3 =	vmul.f32 v12, v1  }
0x1a6: {  	s10 =	sshra.s32 s8, $0x2;
	v5 =	vld.idx.msk [tilespmem:v11+s24+$0x0], $0xffff;
	v6 =	vmul.f32 v6, v0  }
0x1a7: {  	v11 =	vld [tilespmem:s10+$0x4A70];
	[tilespmem:s6+$0x14AC0] =	vst v2;
	v2 =	vadd.f32 v3, v8;
	v3 =	vmul.f32 v9, v1  }
0x1a8: {  	v8 =	vld.idx.msk [tilespmem:v7+s3+$0x0], $0xffff;
	v9 =	vmul.f32 v4, v0  }
0x1a9: {  	v4 =	vld.idx.msk [tilespmem:v7+s24+$0x0], $0xffff;
	[tilespmem:s6+$0x14AD0] =	vst v2;
	v2 =	vadd.f32 v3, v6;
	v10 =	vmul.f32 v10, v1  }
0x1aa: {  	v3 =	vld [tilespmem:s10+$0xCA70]  }
0x1ab: {  	v0 =	vmov v13;
	v6 =	vld [tilespmem:s10+$0x4A00];
	[tilespmem:s6+$0x14AE0] =	vst v2;
	v2 =	vadd.f32 v10, v9  }
0x1ac: {  	v1 =	vmov v5;
	v7 =	vld [tilespmem:s10+$0xCA00]  }
0x1ad: {  	v5 =	vld [tilespmem:s10+$0x4A10];
	[tilespmem:s6+$0x14AF0] =	vst v2;
	s6 =	smov.u32 s10  }
0x1ae: {  	v2 =	vld [tilespmem:s6+$0xCA10]  }
0x1af: {  	v10 =	vmul.f32 v11, v8;
	v9 =	vld [tilespmem:s6+$0x4A20];
	v3 =	vmul.f32 v3, v4  }
0x1b0: {  	v6 =	vmul.f32 v6, v8;
	v11 =	vld [tilespmem:s6+$0xCA20]  }
0x1b1: {  	v7 =	vmul.f32 v7, v4;
	v12 =	vld [tilespmem:s6+$0x4A30];
	v3 =	vadd.f32 v3, v10  }
0x1b2: {  	v5 =	vmul.f32 v5, v8;
	v10 =	vld [tilespmem:s6+$0xCA30]  }
0x1b3: {  	v6 =	vadd.f32 v7, v6;
	v2 =	vmul.f32 v2, v4;
	v7 =	vld [tilespmem:s6+$0x4A40];
	[tilespmem:s6+$0x14A70] =	vst v3  }
0x1b4: {  	v3 =	vmul.f32 v9, v8;
	v9 =	vld [tilespmem:s6+$0xCA40]  }
0x1b5: {  	[tilespmem:s6+$0x14A00] =	vst v6;
	v2 =	vadd.f32 v2, v5;
	v5 =	vmul.f32 v11, v4;
	v6 =	vld [tilespmem:s6+$0x4A50]  }
0x1b6: {  	v11 =	vmul.f32 v12, v8;
	v12 =	vld [tilespmem:s6+$0xCA50]  }
0x1b7: {  	[tilespmem:s6+$0x14A10] =	vst v2;
	v2 =	vadd.f32 v5, v3;
	v3 =	vmul.f32 v10, v4;
	v5 =	vld [tilespmem:s6+$0x4A60]  }
0x1b8: {  	v7 =	vmul.f32 v7, v8;
	v10 =	vld [tilespmem:s6+$0xCA60]  }
0x1b9: {  	[tilespmem:s6+$0x14A20] =	vst v2;
	v2 =	vadd.f32 v3, v11;
	v3 =	vmul.f32 v9, v4;
	v9 =	vld [tilespmem:s6+$0x4A80]  }
0x1ba: {  	v6 =	vmul.f32 v6, v8;
	v11 =	vld [tilespmem:s6+$0xCA80]  }
0x1bb: {  	[tilespmem:s6+$0x14A30] =	vst v2;
	v2 =	vadd.f32 v3, v7;
	v3 =	vmul.f32 v12, v4;
	v7 =	vld [tilespmem:s6+$0x4A90]  }
0x1bc: {  	v5 =	vmul.f32 v5, v8;
	v12 =	vld [tilespmem:s6+$0xCA90]  }
.Ltmp2:
0x1bd: {  	[tilespmem:s6+$0x14A40] =	vst v2;
	v2 =	vadd.f32 v3, v6;
	v3 =	vmul.f32 v10, v4;
	v6 =	vld [tilespmem:s6+$0x4AA0];
	(pc) =	sbr.rel @p1 .LBB2_7-.Ltmp2, $4  }
0x1be: {  	v8 =	vmul.f32 v9, v0;
	v4 =	vld [tilespmem:s6+$0xCAA0]  }
0x1bf: {  	[tilespmem:s6+$0x14A50] =	vst v2;
	v5 =	vadd.f32 v3, v5;
	v9 =	vmul.f32 v11, v1;
	v3 =	vld [tilespmem:s6+$0x4AB0]  }
0x1c0: {  	v7 =	vmul.f32 v7, v0;
	v2 =	vld [tilespmem:s6+$0xCAB0]  }
0x1c1: {  	[tilespmem:s6+$0x14A60] =	vst v5;
	v8 =	vadd.f32 v9, v8;
	v9 =	vmul.f32 v12, v1;
	v5 =	vld [tilespmem:s6+$0x4AC0]  }
0x1c2: {  	v10 =	vld [tilespmem:s6+$0xCAC0]  }
0x1c3: {  	v53 =	vld [tilespmem:s6+$0x4AD0]  }
0x1c4: {  	v54 =	vld [tilespmem:s6+$0xCAD0]  }
0x1c5: {  	v55 =	vld [tilespmem:s6+$0x4AE0]  }
0x1c6: {  	v56 =	vld [tilespmem:s6+$0xCAE0]  }
0x1c7: {  	v57 =	vld [tilespmem:s6+$0x4AF0]  }
0x1c8: {  	v6 =	vmul.f32 v6, v0;
	v11 =	vld [tilespmem:s6+$0xCAF0];
	v4 =	vmul.f32 v4, v1  }
0x1c9: {  	v7 =	vadd.f32 v9, v7;
	v3 =	vmul.f32 v3, v0;
	v2 =	vmul.f32 v2, v1  }
0x1ca: {  	[tilespmem:s6+$0x14A80] =	vst v8;
	v4 =	vadd.f32 v4, v6;
	v5 =	vmul.f32 v5, v0;
	v10 =	vmul.f32 v10, v1  }
0x1cb: {  	[tilespmem:s6+$0x14A90] =	vst v7;
	v2 =	vadd.f32 v2, v3;
	v58 =	vmul.f32 v53, v0;
	v59 =	vmul.f32 v54, v1  }
0x1cc: {  	[tilespmem:s6+$0x14AA0] =	vst v4;
	v6 =	vmul.f32 v55, v0;
	v7 =	vmul.f32 v56, v1;
	v5 =	vadd.f32 v10, v5  }
0x1cd: {  	v61 =	vmul.f32 v57, v0;
	v62 =	vmul.f32 v11, v1;
	[tilespmem:s6+$0x14AB0] =	vst v2;
	v60 =	vadd.f32 v59, v58  }
0x1ce: {  	v63 =	vadd.f32 v7, v6;
	[tilespmem:s6+$0x14AC0] =	vst v5  }
.Ltmp3:
0x1cf: {  	v0 =	vadd.f32 v62, v61;
	[tilespmem:s6+$0x14AD0] =	vst v60;
	(pc) =	sbr.rel @!p0 .LBB2_4-.Ltmp3, $4  }
0x1d0: {  	s5 =	sshll.u32 s7, $0xB;
	s28 =	simm.s32 $0x14A00;
	p1 =	por $0x1, $0x1;
	[tilespmem:s6+$0x14AE0] =	vst v63  }
0x1d1: {  	s9 =	smov.u32 s29;
	s8 =	smov.u32 s30;
	s5 =	sadd.s32 s5, s15;
	[tilespmem:s6+$0x14AF0] =	vst v0  }
0x1d2: {  	[hbm4b:s5+s4] =	stream.linear.scatter [tilespmem:s28], [sflag:$0x4], $0x4000, $0x38;
	[tilespmem:$0x18A00] =	vst v63  }
0x1d3: {  	s7 =	smov.u32 s31;
	s6 =	simm.s32 $0x1;
	s5 =	smov.u32 s0  }
0x1d4: {  	s5 =	simm.s32 $0x3  }
0x1d5: {  	_ =	swait.ge [sflag:s5], $0x4000  }
0x1d6: {  	[sflag:s5] =	ssyncset.done $0x0  }
0x1d7: {  	s6 =	simm.s32 $0x4;
	[sflag:s5] =	ssyncadd.s32 $0xFFFFC000  }
0x1d8: {  	_ =	swait.ge [sflag:s6], $0x4000  }
0x1d9: {  	s7 =	rddreg [dreg:$0x1c]  }
0x1da: {  	s28 =	rddreg [dreg:$0x1b];
	s7 =	sadd.s32 $0x1, s7  }
0x1db: {  	p0 =	sne.s32 s7, s28  }
.Ltmp4:
0x1dc: {  	_ = 	snop;
	(pc) =	sbr.rel @p0 .LBB2_1-.Ltmp4, $3  }
0x1dd: {  	_ =	sdelay $0x1  }
0x1de: {  	[sflag:s6] =	ssyncset.done $0x0  }
0x1df: {  	[sflag:s6] =	ssyncadd.s32 $0xFFFFC000  }
0x1e0: {  	_ =	sfence.sel $0x180000  }
0x1e1: {  	[bflag:$0x0] =	sbarrier.arrive $0xFFFF  }
0x1e2: {  	_ =	strace $0x90000047  }
0x1e3: {  	s0 =	stileid.u32;
	[bflag:$0x2] =	sbarrier.arrive $0xFFFF  }
0x1e4: {  	p0 =	sne.s32 s0, $0x0;
	s0 =	rddreg [dreg:$0x5]  }
0x1e5: {  	s0 =	sadd.s32 @!p0 $0x100000, s0  }
0x1e6: {  	[sflag:s0] =	ssyncadd.tile.s32 @!p0 $0x1;
	_ =	shalt  }
.Lfunc_end2:
_tile_overlayer_lowered:
.L_overlay_start_2:
0x1e7: {  	(tag) =	ssettag $0x2  }
0x1e8: {  	s0 =	rddreg [dreg:$0x0];
	s2 =	stileid.u32  }
0x1e9: {  	s1 =	rddreg [dreg:$0x1];
	p0 =	sne.s32 s2, $0x0  }
0x1ea: {  	s3 =	rddreg [dreg:$0x2];
	[bflag:$0x3] =	sbarrier.arrive $0xFFFF;
	s2 =	simm.s32 @!p0 $0x1C05  }
0x1eb: {  	[timem:s3], [sflag:s2] =	dma.local @!p0 [hbm:s0], s1  }
0x1ec: {  	s0 =	simm.s32 @!p0 $0x5  }
0x1ed: {  	_ =	swait.ge @!p0 [sflag:s0], s1  }
0x1ee: {  	s1 =	ssub.s32 @!p0 $0x0, s1;
	[sflag:s0] =	ssyncset.done @!p0 $0x0  }
0x1ef: {  	[sflag:s0] =	ssyncadd.s32 @!p0 s1  }
0x1f0: {  	[bflag:$0x3] =	sbarrier.arrive $0xFFFF  }
0x1f1: {  	_ =	shalt  }

</sc_bundles>
